<compile_context>
chip_gen: v7x
topology: tpu7x:2x2x1
jax: 0.10.2.dev20260603
libtpu: 0.0.44.dev20260713+nightly
codegen_flags: <defaults>
</compile_context>

<pallas_src>
import functools

import jax
import jax.numpy as jnp
from jax import lax
from jax.experimental import pallas as pl
from jax.experimental.pallas import tpu as pltpu
from jax.experimental.pallas import tpu_sc as plsc

EPS = 1e-6
N = 10000
D = 128
H = 8
DH = D // H

NC = 2
NS = 16
NW = NC * NS
CHUNK = 128
NPAD = 10240
ZR = 64


def _rms(x, scale):
    ms = jnp.mean(x * x, axis=-1, keepdims=True)
    return x * lax.rsqrt(ms + EPS) * scale


def _make_segsum(e_pad):
    per_tile = e_pad // NW
    nch = per_tile // CHUNK
    mesh = plsc.VectorSubcoreMesh(core_axis_name="c", subcore_axis_name="s")

    @functools.partial(
        pl.kernel,
        out_type=jax.ShapeDtypeStruct((2, NPAD, D), jnp.float32),
        mesh=mesh,
        scratch_types=[
            pltpu.VMEM((CHUNK,), jnp.int32),
            pltpu.VMEM((CHUNK,), jnp.int32),
            pltpu.VMEM((CHUNK, D), jnp.float32),
            pltpu.VMEM((ZR, D), jnp.float32),
            pltpu.VMEM_SHARED((NPAD, D), jnp.float32),
            pltpu.SemaphoreType.DMA,
        ],
    )
    def segsum(h_hbm, snd_hbm, rcv_hbm, out_hbm, sidx, ridx, rows, zbuf,
               agg_sh, sem):
        c = lax.axis_index("c")
        s = lax.axis_index("s")

        def zrow(i, _):
            for l in range(D // 16):
                zbuf[i, pl.ds(l * 16, 16)] = jnp.zeros((16,), jnp.float32)
            return 0

        lax.fori_loop(0, ZR, zrow, 0)

        rows_per_sub = NPAD // NS

        def zchunk(t, _):
            pltpu.sync_copy(zbuf, agg_sh.at[pl.ds(s * rows_per_sub + t * ZR, ZR)])
            return 0

        lax.fori_loop(0, rows_per_sub // ZR, zchunk, 0)
        plsc.subcore_barrier()

        base = (c * NS + s) * per_tile

        def chunk(j, _):
            off = base + j * CHUNK
            pltpu.sync_copy(snd_hbm.at[pl.ds(off, CHUNK)], sidx)
            pltpu.sync_copy(rcv_hbm.at[pl.ds(off, CHUNK)], ridx)
            pltpu.async_copy(h_hbm.at[sidx], rows, sem).wait()
            pltpu.sync_copy(rows, agg_sh.at[ridx], add=True)
            return 0

        lax.fori_loop(0, nch, chunk, 0)
        plsc.subcore_barrier()

        def ochunk(t, _):
            r0 = s * (NPAD // NS) + t * ZR
            pltpu.sync_copy(agg_sh.at[pl.ds(r0, ZR)], rows.at[pl.ds(0, ZR)])
            pltpu.sync_copy(rows.at[pl.ds(0, ZR)], out_hbm.at[c, pl.ds(r0, ZR)])
            return 0

        lax.fori_loop(0, (NPAD // NS) // ZR, ochunk, 0)

    return segsum


def _enc_body(x_ref, w1_ref, b1_ref, s1_ref, w2_ref, b2_ref, s2_ref, o_ref):
    t = jnp.dot(x_ref[...], w1_ref[...], preferred_element_type=jnp.float32)
    t = jnp.maximum(_rms(t + b1_ref[...], s1_ref[...]), 0.0)
    t = jnp.dot(t, w2_ref[...], preferred_element_type=jnp.float32)
    o_ref[...] = jnp.maximum(_rms(t + b2_ref[...], s2_ref[...]), 0.0)


def _gin_body(h_ref, agg_ref, sw_ref, sb_ref, gw1_ref, gb1_ref, gs1_ref,
              gw2_ref, gb2_ref, ps_ref, o_ref):
    h = h_ref[...]
    skip = jnp.dot(h, sw_ref[...], preferred_element_type=jnp.float32) + sb_ref[...]
    z = h + agg_ref[0, :N, :] + agg_ref[1, :N, :]
    z = jnp.dot(z, gw1_ref[...], preferred_element_type=jnp.float32)
    z = jnp.maximum(_rms(z + gb1_ref[...], gs1_ref[...]), 0.0)
    z = jnp.dot(z, gw2_ref[...], preferred_element_type=jnp.float32) + gb2_ref[...]
    o_ref[...] = jnp.maximum(_rms(z + skip, ps_ref[...]), 0.0)


def _pma_body(h_ref, seed_ref, wq_ref, bq_ref, wk_ref, bk_ref, wv_ref,
              bv_ref, wo_ref, bo_ref, ps_ref, o_ref):
    h = h_ref[...]
    q = jnp.dot(seed_ref[...], wq_ref[...], preferred_element_type=jnp.float32) + bq_ref[...]
    k = jnp.dot(h, wk_ref[...], preferred_element_type=jnp.float32) + bk_ref[...]
    v = jnp.dot(h, wv_ref[...], preferred_element_type=jnp.float32) + bv_ref[...]
    lane = lax.broadcasted_iota(jnp.int32, (D, H), 0)
    head = lax.broadcasted_iota(jnp.int32, (D, H), 1)
    sel = (lane // DH == head).astype(jnp.float32)
    logits = jnp.dot(k * q, sel, preferred_element_type=jnp.float32)
    logits = logits * (1.0 / jnp.sqrt(jnp.float32(DH)))
    m = jnp.max(logits, axis=0, keepdims=True)
    e = jnp.exp(logits - m)
    ssum = jnp.sum(e, axis=0, keepdims=True)
    attn = e / ssum
    w = jnp.dot(attn, sel.T, preferred_element_type=jnp.float32)
    o = jnp.sum(v * w, axis=0, keepdims=True)
    o = jnp.dot(o, wo_ref[...], preferred_element_type=jnp.float32) + bo_ref[...]
    o_ref[...] = _rms(seed_ref[...] + o, ps_ref[...])


def _dense_call(body, out_shape, *args):
    return pl.pallas_call(body, out_shape=out_shape)(*args)


def kernel(node_features, edge_list, global_features, enc_W1, enc_b1, enc_s1,
           enc_W2, enc_b2, enc_s2, skip_W, skip_b, gin_W1, gin_b1, gin_s1,
           gin_W2, gin_b2, post_s, seed, Wq, bq, Wk, bk, Wv, bv, Wo, bo,
           pma_s):
    e = edge_list.shape[0]
    l_layers = skip_W.shape[0]
    per_tile = -(-e // (NW * CHUNK)) * CHUNK
    e_pad = per_tile * NW
    pad = e_pad - e

    senders = jnp.concatenate(
        [edge_list[:, 0], jnp.zeros((pad,), jnp.int32)])
    receivers = jnp.concatenate(
        [edge_list[:, 1], jnp.full((pad,), N, jnp.int32)])

    segsum = _make_segsum(e_pad)

    row2 = lambda a: a.reshape(1, D)
    nd = jax.ShapeDtypeStruct((N, D), jnp.float32)

    h = _dense_call(_enc_body, nd, node_features, enc_W1, row2(enc_b1),
                    row2(enc_s1), enc_W2, row2(enc_b2), row2(enc_s2))

    for i in range(l_layers):
        agg2 = segsum(h, senders, receivers)
        h = _dense_call(_gin_body, nd, h, agg2, skip_W[i], row2(skip_b[i]),
                        gin_W1[i], row2(gin_b1[i]), row2(gin_s1[i]),
                        gin_W2[i], row2(gin_b2[i]), row2(post_s[i]))

    g = _dense_call(_pma_body, jax.ShapeDtypeStruct((1, D), jnp.float32),
                    h, seed, Wq, row2(bq), Wk, row2(bk), Wv, row2(bv),
                    Wo, row2(bo), row2(pma_s))
    return g.reshape(-1)

# --- scband reference (transcript-rebuilt; emitter-appended) ---
"""Pipeline reference for scband-graph-encoder-68126771249287 (READ-ONLY COPY).

The authoritative reference and input builder live on the scoring server;
editing this copy changes nothing except your own understanding.
"""

import jax, jax.numpy as jnp
import numpy as np

EPS = 1e-6

def rmsnorm(x, scale):
    ms = jnp.mean(jnp.square(x), axis=-1, keepdims=True)
    return (x / jnp.sqrt(ms + EPS)) * scale

def setup_inputs(seed: int = 0):
    key = jax.random.key(seed)
    N, E, D, L = 10000, 320000, 128, 3
    ks = jax.random.split(key, 16)
    s = 1.0 / np.sqrt(D)
    inp = {}
    inp["node_features"] = jax.random.normal(ks[0], (N, D), dtype=jnp.float32)
    inp["edge_list"] = jax.random.randint(ks[1], (E, 2), 0, N, dtype=jnp.int32)
    inp["global_features"] = jax.random.normal(ks[2], (D,), dtype=jnp.float32)
    inp["enc_W1"] = jax.random.normal(ks[3], (D, D), dtype=jnp.float32) * s
    inp["enc_b1"] = jnp.zeros((D,), dtype=jnp.float32)
    inp["enc_s1"] = jnp.ones((D,), dtype=jnp.float32)
    inp["enc_W2"] = jax.random.normal(ks[4], (D, D), dtype=jnp.float32) * s
    inp["enc_b2"] = jnp.zeros((D,), dtype=jnp.float32)
    inp["enc_s2"] = jnp.ones((D,), dtype=jnp.float32)
    inp["skip_W"] = jax.random.normal(ks[5], (L, D, D), dtype=jnp.float32) * s
    inp["skip_b"] = jnp.zeros((L, D), dtype=jnp.float32)
    inp["gin_W1"] = jax.random.normal(ks[6], (L, D, D), dtype=jnp.float32) * s
    inp["gin_b1"] = jnp.zeros((L, D), dtype=jnp.float32)
    inp["gin_s1"] = jnp.ones((L, D), dtype=jnp.float32)
    inp["gin_W2"] = jax.random.normal(ks[7], (L, D, D), dtype=jnp.float32) * s
    inp["gin_b2"] = jnp.zeros((L, D), dtype=jnp.float32)
    inp["post_s"] = jnp.ones((L, D), dtype=jnp.float32)
    inp["seed"] = jax.random.normal(ks[8], (1, D), dtype=jnp.float32) * s
    inp["Wq"] = jax.random.normal(ks[9], (D, D), dtype=jnp.float32) * s
    inp["bq"] = jnp.zeros((D,), dtype=jnp.float32)
    inp["Wk"] = jax.random.normal(ks[10], (D, D), dtype=jnp.float32) * s
    inp["bk"] = jnp.zeros((D,), dtype=jnp.float32)
    inp["Wv"] = jax.random.normal(ks[11], (D, D), dtype=jnp.float32) * s
    inp["bv"] = jnp.zeros((D,), dtype=jnp.float32)
    inp["Wo"] = jax.random.normal(ks[12], (D, D), dtype=jnp.float32) * s
    inp["bo"] = jnp.zeros((D,), dtype=jnp.float32)
    inp["pma_s"] = jnp.ones((D,), dtype=jnp.float32)
    return inp

def reference(node_features, edge_list, global_features, enc_W1, enc_b1, enc_s1, enc_W2, enc_b2, enc_s2, skip_W, skip_b, gin_W1, gin_b1, gin_s1, gin_W2, gin_b2, post_s, seed, Wq, bq, Wk, bk, Wv, bv, Wo, bo, pma_s):
    N = node_features.shape[0]
    D = node_features.shape[1]
    H = 8
    L = skip_W.shape[0]
    senders = edge_list[:, 0]
    receivers = edge_list[:, 1]
    # input encoder: Dense -> RMSNorm -> relu -> Dense -> RMSNorm -> relu
    h = jax.nn.relu(rmsnorm(node_features @ enc_W1 + enc_b1, enc_s1))
    h = jax.nn.relu(rmsnorm(h @ enc_W2 + enc_b2, enc_s2))
    # GIN layers with dense skip connections
    for i in range(L):
        skip = h @ skip_W[i] + skip_b[i]
        msgs = jnp.take(h, senders, axis=0)
        agg = jax.ops.segment_sum(msgs, receivers, num_segments=N)
        z = (1.0 + 0.0) * h + agg
        z = jax.nn.relu(rmsnorm(z @ gin_W1[i] + gin_b1[i], gin_s1[i]))
        z = z @ gin_W2[i] + gin_b2[i]
        h = jax.nn.relu(rmsnorm(z + skip, post_s[i]))
    # PMA: pooling by multihead attention with one learned seed
    q = seed @ Wq + bq
    k = h @ Wk + bk
    v = h @ Wv + bv
    dh = D // H
    qh = q.reshape(1, H, dh).transpose(1, 0, 2)
    kh = k.reshape(N, H, dh).transpose(1, 0, 2)
    vh = v.reshape(N, H, dh).transpose(1, 0, 2)
    logits = (qh @ kh.transpose(0, 2, 1)) / jnp.sqrt(jnp.float32(dh))
    attn = jax.nn.softmax(logits, axis=-1)
    o = (attn @ vh).transpose(1, 0, 2).reshape(1, D)
    o = o @ Wo + bo
    g = rmsnorm(seed + o, pma_s)
    return g.reshape(-1)

if __name__ == "__main__":
    import jax
    _d = setup_inputs()
    print(jax.jit(kernel)(*tuple(_d.values())))

</pallas_src>

<mosaic_0001>
#map = affine_map<(d0, d1) -> (0, 0)>
#map1 = affine_map<(d0, d1) -> (0)>
#map2 = affine_map<(d0, d1) -> (0, 0, 0)>
module attributes {stable_mosaic.version = 14 : i64} {
  func.func @segsum(%arg0: i32, %arg1: i32, %arg2: memref<10000x128xf32, #tpu.memory_space<hbm>>, %arg3: memref<323584xi32, #tpu.memory_space<hbm>>, %arg4: memref<323584xi32, #tpu.memory_space<hbm>>, %arg5: memref<2x10240x128xf32, #tpu.memory_space<hbm>>, %arg6: memref<128xi32, #tpu.memory_space<vmem>>, %arg7: memref<128xi32, #tpu.memory_space<vmem>>, %arg8: memref<128x128xf32, #tpu.memory_space<vmem>>, %arg9: memref<64x128xf32, #tpu.memory_space<vmem>>, %arg10: memref<10240x128xf32, #tpu.memory_space<vmem_shared>>, %arg11: memref<!tpu.dma_semaphore, #tpu.memory_space<semaphore_mem>>) attributes {dimension_semantics = [#tpu.dimension_semantics<core_parallel>, #tpu.dimension_semantics<subcore_parallel>], iteration_bounds = array<i64: 2, 16>, scalar_prefetch = 0 : i64, scratch_operands = 6 : i64, tpu.core_type = #tpu.core_type<sc_vector_subcore>, window_params = [{transform_indices = #map}, {transform_indices = #map1}, {transform_indices = #map1}, {transform_indices = #map2}]} {
    %scan3A = arith.constant 0 : i32
    %scan3A_0 = arith.constant 0 : i32
    %scan3A_1 = arith.constant 64 : i32
    %scan3A_2 = arith.addi %scan3A_0, %scan3A_1 : i32
    %scan3A_3 = arith.constant 1 : i32
    %scan3A_4 = scf.for %scan3A_31 = %scan3A_0 to %scan3A_2 step %scan3A_3 iter_args(%scan3A_32 = %scan3A) -> (i32)  : i32 {
      %broadcast_in_dim3A = arith.constant 0.000000e+00 : f32
      %broadcast_in_dim3A_33 = vector.broadcast %broadcast_in_dim3A : f32 to vector<16xf32>
      %swap3A = arith.index_cast %scan3A_31 : i32 to index
      %swap3A_34 = arith.constant 0 : index
      %swap3A_35 = tpu.vector_load %arg9[%swap3A, %swap3A_34] {strides = array<i32>} : memref<64x128xf32, #tpu.memory_space<vmem>>, vector<1x16xf32>,
      %swap3A_36 = vector.shape_cast %swap3A_35 : vector<1x16xf32> to vector<16xf32>
      %swap3A_37 = vector.shape_cast %broadcast_in_dim3A_33 : vector<16xf32> to vector<1x16xf32>
      tpu.vector_store %arg9[%swap3A, %swap3A_34], %swap3A_37 {strides = array<i32>} : memref<64x128xf32, #tpu.memory_space<vmem>>, vector<1x16xf32>,
      %broadcast_in_dim3A_38 = arith.constant 0.000000e+00 : f32
      %broadcast_in_dim3A_39 = vector.broadcast %broadcast_in_dim3A_38 : f32 to vector<16xf32>
      %swap3A_40 = arith.index_cast %scan3A_31 : i32 to index
      %swap3A_41 = arith.constant 16 : index
      %swap3A_42 = tpu.vector_load %arg9[%swap3A_40, %swap3A_41] {strides = array<i32>} : memref<64x128xf32, #tpu.memory_space<vmem>>, vector<1x16xf32>,
      %swap3A_43 = vector.shape_cast %swap3A_42 : vector<1x16xf32> to vector<16xf32>
      %swap3A_44 = vector.shape_cast %broadcast_in_dim3A_39 : vector<16xf32> to vector<1x16xf32>
      tpu.vector_store %arg9[%swap3A_40, %swap3A_41], %swap3A_44 {strides = array<i32>} : memref<64x128xf32, #tpu.memory_space<vmem>>, vector<1x16xf32>,
      %broadcast_in_dim3A_45 = arith.constant 0.000000e+00 : f32
      %broadcast_in_dim3A_46 = vector.broadcast %broadcast_in_dim3A_45 : f32 to vector<16xf32>
      %swap3A_47 = arith.index_cast %scan3A_31 : i32 to index
      %swap3A_48 = arith.constant 32 : index
      %swap3A_49 = tpu.vector_load %arg9[%swap3A_47, %swap3A_48] {strides = array<i32>} : memref<64x128xf32, #tpu.memory_space<vmem>>, vector<1x16xf32>,
      %swap3A_50 = vector.shape_cast %swap3A_49 : vector<1x16xf32> to vector<16xf32>
      %swap3A_51 = vector.shape_cast %broadcast_in_dim3A_46 : vector<16xf32> to vector<1x16xf32>
      tpu.vector_store %arg9[%swap3A_47, %swap3A_48], %swap3A_51 {strides = array<i32>} : memref<64x128xf32, #tpu.memory_space<vmem>>, vector<1x16xf32>,
      %broadcast_in_dim3A_52 = arith.constant 0.000000e+00 : f32
      %broadcast_in_dim3A_53 = vector.broadcast %broadcast_in_dim3A_52 : f32 to vector<16xf32>
      %swap3A_54 = arith.index_cast %scan3A_31 : i32 to index
      %swap3A_55 = arith.constant 48 : index
      %swap3A_56 = tpu.vector_load %arg9[%swap3A_54, %swap3A_55] {strides = array<i32>} : memref<64x128xf32, #tpu.memory_space<vmem>>, vector<1x16xf32>,
      %swap3A_57 = vector.shape_cast %swap3A_56 : vector<1x16xf32> to vector<16xf32>
      %swap3A_58 = vector.shape_cast %broadcast_in_dim3A_53 : vector<16xf32> to vector<1x16xf32>
      tpu.vector_store %arg9[%swap3A_54, %swap3A_55], %swap3A_58 {strides = array<i32>} : memref<64x128xf32, #tpu.memory_space<vmem>>, vector<1x16xf32>,
      %broadcast_in_dim3A_59 = arith.constant 0.000000e+00 : f32
      %broadcast_in_dim3A_60 = vector.broadcast %broadcast_in_dim3A_59 : f32 to vector<16xf32>
      %swap3A_61 = arith.index_cast %scan3A_31 : i32 to index
      %swap3A_62 = arith.constant 64 : index
      %swap3A_63 = tpu.vector_load %arg9[%swap3A_61, %swap3A_62] {strides = array<i32>} : memref<64x128xf32, #tpu.memory_space<vmem>>, vector<1x16xf32>,
      %swap3A_64 = vector.shape_cast %swap3A_63 : vector<1x16xf32> to vector<16xf32>
      %swap3A_65 = vector.shape_cast %broadcast_in_dim3A_60 : vector<16xf32> to vector<1x16xf32>
      tpu.vector_store %arg9[%swap3A_61, %swap3A_62], %swap3A_65 {strides = array<i32>} : memref<64x128xf32, #tpu.memory_space<vmem>>, vector<1x16xf32>,
      %broadcast_in_dim3A_66 = arith.constant 0.000000e+00 : f32
      %broadcast_in_dim3A_67 = vector.broadcast %broadcast_in_dim3A_66 : f32 to vector<16xf32>
      %swap3A_68 = arith.index_cast %scan3A_31 : i32 to index
      %swap3A_69 = arith.constant 80 : index
      %swap3A_70 = tpu.vector_load %arg9[%swap3A_68, %swap3A_69] {strides = array<i32>} : memref<64x128xf32, #tpu.memory_space<vmem>>, vector<1x16xf32>,
      %swap3A_71 = vector.shape_cast %swap3A_70 : vector<1x16xf32> to vector<16xf32>
      %swap3A_72 = vector.shape_cast %broadcast_in_dim3A_67 : vector<16xf32> to vector<1x16xf32>
      tpu.vector_store %arg9[%swap3A_68, %swap3A_69], %swap3A_72 {strides = array<i32>} : memref<64x128xf32, #tpu.memory_space<vmem>>, vector<1x16xf32>,
      %broadcast_in_dim3A_73 = arith.constant 0.000000e+00 : f32
      %broadcast_in_dim3A_74 = vector.broadcast %broadcast_in_dim3A_73 : f32 to vector<16xf32>
      %swap3A_75 = arith.index_cast %scan3A_31 : i32 to index
      %swap3A_76 = arith.constant 96 : index
      %swap3A_77 = tpu.vector_load %arg9[%swap3A_75, %swap3A_76] {strides = array<i32>} : memref<64x128xf32, #tpu.memory_space<vmem>>, vector<1x16xf32>,
      %swap3A_78 = vector.shape_cast %swap3A_77 : vector<1x16xf32> to vector<16xf32>
      %swap3A_79 = vector.shape_cast %broadcast_in_dim3A_74 : vector<16xf32> to vector<1x16xf32>
      tpu.vector_store %arg9[%swap3A_75, %swap3A_76], %swap3A_79 {strides = array<i32>} : memref<64x128xf32, #tpu.memory_space<vmem>>, vector<1x16xf32>,
      %broadcast_in_dim3A_80 = arith.constant 0.000000e+00 : f32
      %broadcast_in_dim3A_81 = vector.broadcast %broadcast_in_dim3A_80 : f32 to vector<16xf32>
      %swap3A_82 = arith.index_cast %scan3A_31 : i32 to index
      %swap3A_83 = arith.constant 112 : index
      %swap3A_84 = tpu.vector_load %arg9[%swap3A_82, %swap3A_83] {strides = array<i32>} : memref<64x128xf32, #tpu.memory_space<vmem>>, vector<1x16xf32>,
      %swap3A_85 = vector.shape_cast %swap3A_84 : vector<1x16xf32> to vector<16xf32>
      %swap3A_86 = vector.shape_cast %broadcast_in_dim3A_81 : vector<16xf32> to vector<1x16xf32>
      tpu.vector_store %arg9[%swap3A_82, %swap3A_83], %swap3A_86 {strides = array<i32>} : memref<64x128xf32, #tpu.memory_space<vmem>>, vector<1x16xf32>,
      %scan3A_87 = arith.constant 0 : i32
      scf.yield %scan3A_87 : i32
    }
    %scan3A_5 = arith.constant 64 : i32
    %scan3A_6 = arith.constant 0 : i32
    %scan3A_7 = arith.constant 0 : i32
    %scan3A_8 = arith.constant 10 : i32
    %scan3A_9 = arith.addi %scan3A_7, %scan3A_8 : i32
    %scan3A_10 = arith.constant 1 : i32
    %scan3A_11 = scf.for %scan3A_31 = %scan3A_7 to %scan3A_9 step %scan3A_10 iter_args(%scan3A_32 = %scan3A_6) -> (i32)  : i32 {
      %mul3A_33 = arith.constant 640 : i32
      %mul3A_34 = arith.muli %arg1, %mul3A_33 : i32
      %mul3A_35 = arith.constant 64 : i32
      %mul3A_36 = arith.muli %scan3A_31, %mul3A_35 : i32
      %add3A_37 = arith.addi %mul3A_34, %mul3A_36 : i32
      "tpu.region"() ({
        %run_scoped3A = tpu.sem_alloc : memref<!tpu.dma_semaphore, #tpu.memory_space<semaphore_mem>>
        %dma_start3A = arith.constant 0 : i32
        %dma_start3A_39 = tpu.memref_slice %arg10[%add3A_37, %dma_start3A] : memref<10240x128xf32, #tpu.memory_space<vmem_shared>> -> memref<64x128xf32, #tpu.memory_space<vmem_shared>>
        %dma_start3A_40 = arith.constant 0 : i32
        %dma_start3A_41 = tpu.memref_slice %arg10[%add3A_37, %dma_start3A_40] : memref<10240x128xf32, #tpu.memory_space<vmem_shared>> -> memref<64x128xf32, #tpu.memory_space<vmem_shared>>
        tpu.enqueue_dma source(%arg9 : memref<64x128xf32, #tpu.memory_space<vmem>>) target(%dma_start3A_41 : memref<64x128xf32, #tpu.memory_space<vmem_shared>>) target_semaphore(%run_scoped3A : memref<!tpu.dma_semaphore, #tpu.memory_space<semaphore_mem>>)
        %dma_wait3A = arith.constant 0 : i32
        %dma_wait3A_42 = tpu.memref_slice %arg10[%add3A_37, %dma_wait3A] : memref<10240x128xf32, #tpu.memory_space<vmem_shared>> -> memref<64x128xf32, #tpu.memory_space<vmem_shared>>
        %dma_wait3A_43 = arith.constant 0 : i32
        %dma_wait3A_44 = tpu.memref_slice %arg10[%add3A_37, %dma_wait3A_43] : memref<10240x128xf32, #tpu.memory_space<vmem_shared>> -> memref<64x128xf32, #tpu.memory_space<vmem_shared>>
        tpu.wait_dma2 semaphore(%run_scoped3A : memref<!tpu.dma_semaphore, #tpu.memory_space<semaphore_mem>>) src(%arg9 : memref<64x128xf32, #tpu.memory_space<vmem>>) dst(%dma_wait3A_44 : memref<64x128xf32, #tpu.memory_space<vmem_shared>>)
        tpu.yield
      }) : () -> ()
      %scan3A_38 = arith.constant 0 : i32
      scf.yield %scan3A_38 : i32
    }
    %scan3A_12 = arith.constant 10 : i32
    %barrier3A = arith.constant 0 : index
    tpu.barrier barrier_id(%barrier3A)
    %mul3A = arith.constant 16 : i32
    %mul3A_13 = arith.muli %arg0, %mul3A : i32
    %add3A = arith.addi %mul3A_13, %arg1 : i32
    %mul3A_14 = arith.constant 10112 : i32
    %mul3A_15 = arith.muli %add3A, %mul3A_14 : i32
    %scan3A_16 = arith.constant 0 : i32
    %scan3A_17 = arith.constant 0 : i32
    %scan3A_18 = arith.constant 79 : i32
    %scan3A_19 = arith.addi %scan3A_17, %scan3A_18 : i32
    %scan3A_20 = arith.constant 1 : i32
    %scan3A_21 = scf.for %scan3A_31 = %scan3A_17 to %scan3A_19 step %scan3A_20 iter_args(%scan3A_32 = %scan3A_16) -> (i32)  : i32 {
      %mul3A_33 = arith.constant 128 : i32
      %mul3A_34 = arith.muli %scan3A_31, %mul3A_33 : i32
      %add3A_35 = arith.addi %mul3A_15, %mul3A_34 : i32
      "tpu.region"() ({
        %run_scoped3A = tpu.sem_alloc : memref<!tpu.dma_semaphore, #tpu.memory_space<semaphore_mem>>
        %dma_start3A_41 = tpu.memref_slice %arg3[%add3A_35] : memref<323584xi32, #tpu.memory_space<hbm>> -> memref<128xi32, #tpu.memory_space<hbm>>
        %dma_start3A_42 = tpu.memref_slice %arg3[%add3A_35] : memref<323584xi32, #tpu.memory_space<hbm>> -> memref<128xi32, #tpu.memory_space<hbm>>
        tpu.enqueue_dma source(%dma_start3A_42 : memref<128xi32, #tpu.memory_space<hbm>>) target(%arg6 : memref<128xi32, #tpu.memory_space<vmem>>) target_semaphore(%run_scoped3A : memref<!tpu.dma_semaphore, #tpu.memory_space<semaphore_mem>>)
        %dma_wait3A_43 = tpu.memref_slice %arg3[%add3A_35] : memref<323584xi32, #tpu.memory_space<hbm>> -> memref<128xi32, #tpu.memory_space<hbm>>
        %dma_wait3A_44 = tpu.memref_slice %arg3[%add3A_35] : memref<323584xi32, #tpu.memory_space<hbm>> -> memref<128xi32, #tpu.memory_space<hbm>>
        tpu.wait_dma2 semaphore(%run_scoped3A : memref<!tpu.dma_semaphore, #tpu.memory_space<semaphore_mem>>) src(%dma_wait3A_44 : memref<128xi32, #tpu.memory_space<hbm>>) dst(%arg6 : memref<128xi32, #tpu.memory_space<vmem>>)
        tpu.yield
      }) : () -> ()
      "tpu.region"() ({
        %run_scoped3A = tpu.sem_alloc : memref<!tpu.dma_semaphore, #tpu.memory_space<semaphore_mem>>
        %dma_start3A_41 = tpu.memref_slice %arg4[%add3A_35] : memref<323584xi32, #tpu.memory_space<hbm>> -> memref<128xi32, #tpu.memory_space<hbm>>
        %dma_start3A_42 = tpu.memref_slice %arg4[%add3A_35] : memref<323584xi32, #tpu.memory_space<hbm>> -> memref<128xi32, #tpu.memory_space<hbm>>
        tpu.enqueue_dma source(%dma_start3A_42 : memref<128xi32, #tpu.memory_space<hbm>>) target(%arg7 : memref<128xi32, #tpu.memory_space<vmem>>) target_semaphore(%run_scoped3A : memref<!tpu.dma_semaphore, #tpu.memory_space<semaphore_mem>>)
        %dma_wait3A_43 = tpu.memref_slice %arg4[%add3A_35] : memref<323584xi32, #tpu.memory_space<hbm>> -> memref<128xi32, #tpu.memory_space<hbm>>
        %dma_wait3A_44 = tpu.memref_slice %arg4[%add3A_35] : memref<323584xi32, #tpu.memory_space<hbm>> -> memref<128xi32, #tpu.memory_space<hbm>>
        tpu.wait_dma2 semaphore(%run_scoped3A : memref<!tpu.dma_semaphore, #tpu.memory_space<semaphore_mem>>) src(%dma_wait3A_44 : memref<128xi32, #tpu.memory_space<hbm>>) dst(%arg7 : memref<128xi32, #tpu.memory_space<vmem>>)
        tpu.yield
      }) : () -> ()
      %dma_start3A = arith.constant 0 : i32
      %dma_start3A_36 = arith.constant 0 : i32
      %dma_start3A_37 = tpu.memref_slice %arg2[%dma_start3A, %dma_start3A_36] : memref<10000x128xf32, #tpu.memory_space<hbm>> -> memref<10000x128xf32, #tpu.memory_space<hbm>>
      tpu.enqueue_indirect_dma source(%dma_start3A_37 : memref<10000x128xf32, #tpu.memory_space<hbm>>) target(%arg8 : memref<128x128xf32, #tpu.memory_space<vmem>>) offsets(%arg6 : memref<128xi32, #tpu.memory_space<vmem>>) semaphore(%arg11 : memref<!tpu.dma_semaphore, #tpu.memory_space<semaphore_mem>>)
      %dma_wait3A = arith.constant 0 : i32
      %dma_wait3A_38 = arith.constant 0 : i32
      %dma_wait3A_39 = tpu.memref_slice %arg2[%dma_wait3A, %dma_wait3A_38] : memref<10000x128xf32, #tpu.memory_space<hbm>> -> memref<10000x128xf32, #tpu.memory_space<hbm>>
      tpu.wait_indirect_dma semaphore(%arg11 : memref<!tpu.dma_semaphore, #tpu.memory_space<semaphore_mem>>) src(%dma_wait3A_39 : memref<10000x128xf32, #tpu.memory_space<hbm>>) dst(%arg8 : memref<128x128xf32, #tpu.memory_space<vmem>>)
      "tpu.region"() ({
        %run_scoped3A = tpu.sem_alloc : memref<!tpu.dma_semaphore, #tpu.memory_space<semaphore_mem>>
        %dma_start3A_41 = arith.constant 0 : i32
        %dma_start3A_42 = arith.constant 0 : i32
        %dma_start3A_43 = tpu.memref_slice %arg10[%dma_start3A_41, %dma_start3A_42] : memref<10240x128xf32, #tpu.memory_space<vmem_shared>> -> memref<10240x128xf32, #tpu.memory_space<vmem_shared>>
        tpu.enqueue_indirect_dma source(%arg8 : memref<128x128xf32, #tpu.memory_space<vmem>>) target(%dma_start3A_43 : memref<10240x128xf32, #tpu.memory_space<vmem_shared>>) offsets(%arg7 : memref<128xi32, #tpu.memory_space<vmem>>) semaphore(%run_scoped3A : memref<!tpu.dma_semaphore, #tpu.memory_space<semaphore_mem>>) {add = true}
        %dma_wait3A_44 = arith.constant 0 : i32
        %dma_wait3A_45 = arith.constant 0 : i32
        %dma_wait3A_46 = tpu.memref_slice %arg10[%dma_wait3A_44, %dma_wait3A_45] : memref<10240x128xf32, #tpu.memory_space<vmem_shared>> -> memref<10240x128xf32, #tpu.memory_space<vmem_shared>>
        tpu.wait_indirect_dma semaphore(%run_scoped3A : memref<!tpu.dma_semaphore, #tpu.memory_space<semaphore_mem>>) src(%arg8 : memref<128x128xf32, #tpu.memory_space<vmem>>) dst(%dma_wait3A_46 : memref<10240x128xf32, #tpu.memory_space<vmem_shared>>)
        tpu.yield
      }) : () -> ()
      %scan3A_40 = arith.constant 0 : i32
      scf.yield %scan3A_40 : i32
    }
    %scan3A_22 = arith.constant 79 : i32
    %barrier3A_23 = arith.constant 0 : index
    tpu.barrier barrier_id(%barrier3A_23)
    %scan3A_24 = arith.constant 0 : i32
    %scan3A_25 = arith.constant 0 : i32
    %scan3A_26 = arith.constant 10 : i32
    %scan3A_27 = arith.addi %scan3A_25, %scan3A_26 : i32
    %scan3A_28 = arith.constant 1 : i32
    %scan3A_29 = scf.for %scan3A_31 = %scan3A_25 to %scan3A_27 step %scan3A_28 iter_args(%scan3A_32 = %scan3A_24) -> (i32)  : i32 {
      %mul3A_33 = arith.constant 640 : i32
      %mul3A_34 = arith.muli %arg1, %mul3A_33 : i32
      %mul3A_35 = arith.constant 64 : i32
      %mul3A_36 = arith.muli %scan3A_31, %mul3A_35 : i32
      %add3A_37 = arith.addi %mul3A_34, %mul3A_36 : i32
      "tpu.region"() ({
        %run_scoped3A = tpu.sem_alloc : memref<!tpu.dma_semaphore, #tpu.memory_space<semaphore_mem>>
        %dma_start3A = arith.constant 0 : i32
        %dma_start3A_39 = arith.constant 0 : i32
        %dma_start3A_40 = tpu.memref_slice %arg8[%dma_start3A, %dma_start3A_39] : memref<128x128xf32, #tpu.memory_space<vmem>> -> memref<64x128xf32, #tpu.memory_space<vmem>>
        %dma_start3A_41 = arith.constant 0 : i32
        %dma_start3A_42 = tpu.memref_slice %arg10[%add3A_37, %dma_start3A_41] : memref<10240x128xf32, #tpu.memory_space<vmem_shared>> -> memref<64x128xf32, #tpu.memory_space<vmem_shared>>
        %dma_start3A_43 = arith.constant 0 : i32
        %dma_start3A_44 = arith.constant 0 : i32
        %dma_start3A_45 = tpu.memref_slice %arg8[%dma_start3A_43, %dma_start3A_44] : memref<128x128xf32, #tpu.memory_space<vmem>> -> memref<64x128xf32, #tpu.memory_space<vmem>>
        %dma_start3A_46 = arith.constant 0 : i32
        %dma_start3A_47 = tpu.memref_slice %arg10[%add3A_37, %dma_start3A_46] : memref<10240x128xf32, #tpu.memory_space<vmem_shared>> -> memref<64x128xf32, #tpu.memory_space<vmem_shared>>
        tpu.enqueue_dma source(%dma_start3A_47 : memref<64x128xf32, #tpu.memory_space<vmem_shared>>) target(%dma_start3A_45 : memref<64x128xf32, #tpu.memory_space<vmem>>) target_semaphore(%run_scoped3A : memref<!tpu.dma_semaphore, #tpu.memory_space<semaphore_mem>>)
        %dma_wait3A = arith.constant 0 : i32
        %dma_wait3A_48 = arith.constant 0 : i32
        %dma_wait3A_49 = tpu.memref_slice %arg8[%dma_wait3A, %dma_wait3A_48] : memref<128x128xf32, #tpu.memory_space<vmem>> -> memref<64x128xf32, #tpu.memory_space<vmem>>
        %dma_wait3A_50 = arith.constant 0 : i32
        %dma_wait3A_51 = tpu.memref_slice %arg10[%add3A_37, %dma_wait3A_50] : memref<10240x128xf32, #tpu.memory_space<vmem_shared>> -> memref<64x128xf32, #tpu.memory_space<vmem_shared>>
        %dma_wait3A_52 = arith.constant 0 : i32
        %dma_wait3A_53 = arith.constant 0 : i32
        %dma_wait3A_54 = tpu.memref_slice %arg8[%dma_wait3A_52, %dma_wait3A_53] : memref<128x128xf32, #tpu.memory_space<vmem>> -> memref<64x128xf32, #tpu.memory_space<vmem>>
        %dma_wait3A_55 = arith.constant 0 : i32
        %dma_wait3A_56 = tpu.memref_slice %arg10[%add3A_37, %dma_wait3A_55] : memref<10240x128xf32, #tpu.memory_space<vmem_shared>> -> memref<64x128xf32, #tpu.memory_space<vmem_shared>>
        tpu.wait_dma2 semaphore(%run_scoped3A : memref<!tpu.dma_semaphore, #tpu.memory_space<semaphore_mem>>) src(%dma_wait3A_56 : memref<64x128xf32, #tpu.memory_space<vmem_shared>>) dst(%dma_wait3A_54 : memref<64x128xf32, #tpu.memory_space<vmem>>)
        tpu.yield
      }) : () -> ()
      "tpu.region"() ({
        %run_scoped3A = tpu.sem_alloc : memref<!tpu.dma_semaphore, #tpu.memory_space<semaphore_mem>>
        %dma_start3A = arith.constant 0 : i32
        %dma_start3A_39 = arith.constant 0 : i32
        %dma_start3A_40 = tpu.memref_slice %arg8[%dma_start3A, %dma_start3A_39] : memref<128x128xf32, #tpu.memory_space<vmem>> -> memref<64x128xf32, #tpu.memory_space<vmem>>
        %dma_start3A_41 = arith.constant 0 : i32
        %dma_start3A_42 = tpu.memref_slice %arg5[%arg0, %add3A_37, %dma_start3A_41] : memref<2x10240x128xf32, #tpu.memory_space<hbm>> -> memref<1x64x128xf32, #tpu.memory_space<hbm>>
        %dma_start3A_43 = tpu.memref_squeeze %dma_start3A_42 : memref<1x64x128xf32, #tpu.memory_space<hbm>> -> memref<64x128xf32, #tpu.memory_space<hbm>>
        %dma_start3A_44 = arith.constant 0 : i32
        %dma_start3A_45 = tpu.memref_slice %arg5[%arg0, %add3A_37, %dma_start3A_44] : memref<2x10240x128xf32, #tpu.memory_space<hbm>> -> memref<1x64x128xf32, #tpu.memory_space<hbm>>
        %dma_start3A_46 = tpu.memref_squeeze %dma_start3A_45 : memref<1x64x128xf32, #tpu.memory_space<hbm>> -> memref<64x128xf32, #tpu.memory_space<hbm>>
        %dma_start3A_47 = arith.constant 0 : i32
        %dma_start3A_48 = arith.constant 0 : i32
        %dma_start3A_49 = tpu.memref_slice %arg8[%dma_start3A_47, %dma_start3A_48] : memref<128x128xf32, #tpu.memory_space<vmem>> -> memref<64x128xf32, #tpu.memory_space<vmem>>
        tpu.enqueue_dma source(%dma_start3A_49 : memref<64x128xf32, #tpu.memory_space<vmem>>) target(%dma_start3A_46 : memref<64x128xf32, #tpu.memory_space<hbm>>) target_semaphore(%run_scoped3A : memref<!tpu.dma_semaphore, #tpu.memory_space<semaphore_mem>>)
        %dma_wait3A = arith.constant 0 : i32
        %dma_wait3A_50 = arith.constant 0 : i32
        %dma_wait3A_51 = tpu.memref_slice %arg8[%dma_wait3A, %dma_wait3A_50] : memref<128x128xf32, #tpu.memory_space<vmem>> -> memref<64x128xf32, #tpu.memory_space<vmem>>
        %dma_wait3A_52 = arith.constant 0 : i32
        %dma_wait3A_53 = tpu.memref_slice %arg5[%arg0, %add3A_37, %dma_wait3A_52] : memref<2x10240x128xf32, #tpu.memory_space<hbm>> -> memref<1x64x128xf32, #tpu.memory_space<hbm>>
        %dma_wait3A_54 = tpu.memref_squeeze %dma_wait3A_53 : memref<1x64x128xf32, #tpu.memory_space<hbm>> -> memref<64x128xf32, #tpu.memory_space<hbm>>
        %dma_wait3A_55 = arith.constant 0 : i32
        %dma_wait3A_56 = tpu.memref_slice %arg5[%arg0, %add3A_37, %dma_wait3A_55] : memref<2x10240x128xf32, #tpu.memory_space<hbm>> -> memref<1x64x128xf32, #tpu.memory_space<hbm>>
        %dma_wait3A_57 = tpu.memref_squeeze %dma_wait3A_56 : memref<1x64x128xf32, #tpu.memory_space<hbm>> -> memref<64x128xf32, #tpu.memory_space<hbm>>
        %dma_wait3A_58 = arith.constant 0 : i32
        %dma_wait3A_59 = arith.constant 0 : i32
        %dma_wait3A_60 = tpu.memref_slice %arg8[%dma_wait3A_58, %dma_wait3A_59] : memref<128x128xf32, #tpu.memory_space<vmem>> -> memref<64x128xf32, #tpu.memory_space<vmem>>
        tpu.wait_dma2 semaphore(%run_scoped3A : memref<!tpu.dma_semaphore, #tpu.memory_space<semaphore_mem>>) src(%dma_wait3A_60 : memref<64x128xf32, #tpu.memory_space<vmem>>) dst(%dma_wait3A_57 : memref<64x128xf32, #tpu.memory_space<hbm>>)
        tpu.yield
      }) : () -> ()
      %scan3A_38 = arith.constant 0 : i32
      scf.yield %scan3A_38 : i32
    }
    %scan3A_30 = arith.constant 10 : i32
    return
  }
}

#map = affine_map<(d0, d1) -> (0, 0)>
#map1 = affine_map<(d0, d1) -> (0)>
#map2 = affine_map<(d0, d1) -> (0, 0, 0)>
module attributes {stable_mosaic.version = 14 : i64} {
  func.func @segsum(%arg0: i32, %arg1: i32, %arg2: memref<10000x128xf32, #tpu.memory_space<hbm>>, %arg3: memref<323584xi32, #tpu.memory_space<hbm>>, %arg4: memref<323584xi32, #tpu.memory_space<hbm>>, %arg5: memref<2x10240x128xf32, #tpu.memory_space<hbm>>, %arg6: memref<128xi32, #tpu.memory_space<vmem>>, %arg7: memref<128xi32, #tpu.memory_space<vmem>>, %arg8: memref<128x128xf32, #tpu.memory_space<vmem>>, %arg9: memref<64x128xf32, #tpu.memory_space<vmem>>, %arg10: memref<10240x128xf32, #tpu.memory_space<vmem_shared>>, %arg11: memref<!tpu.dma_semaphore, #tpu.memory_space<semaphore_mem>>) attributes {dimension_semantics = [#tpu.dimension_semantics<core_parallel>, #tpu.dimension_semantics<subcore_parallel>], iteration_bounds = array<i64: 2, 16>, scalar_prefetch = 0 : i64, scratch_operands = 6 : i64, tpu.core_type = #tpu.core_type<sc_vector_subcore>, window_params = [{transform_indices = #map}, {transform_indices = #map1}, {transform_indices = #map1}, {transform_indices = #map2}]} {
    %scan3A = arith.constant 0 : i32
    %scan3A_0 = arith.constant 0 : i32
    %scan3A_1 = arith.constant 64 : i32
    %scan3A_2 = arith.addi %scan3A_0, %scan3A_1 : i32
    %scan3A_3 = arith.constant 1 : i32
    %scan3A_4 = scf.for %scan3A_31 = %scan3A_0 to %scan3A_2 step %scan3A_3 iter_args(%scan3A_32 = %scan3A) -> (i32)  : i32 {
      %broadcast_in_dim3A = arith.constant 0.000000e+00 : f32
      %broadcast_in_dim3A_33 = vector.broadcast %broadcast_in_dim3A : f32 to vector<16xf32>
      %swap3A = arith.index_cast %scan3A_31 : i32 to index
      %swap3A_34 = arith.constant 0 : index
      %swap3A_35 = tpu.vector_load %arg9[%swap3A, %swap3A_34] {strides = array<i32>} : memref<64x128xf32, #tpu.memory_space<vmem>>, vector<1x16xf32>,
      %swap3A_36 = vector.shape_cast %swap3A_35 : vector<1x16xf32> to vector<16xf32>
      %swap3A_37 = vector.shape_cast %broadcast_in_dim3A_33 : vector<16xf32> to vector<1x16xf32>
      tpu.vector_store %arg9[%swap3A, %swap3A_34], %swap3A_37 {strides = array<i32>} : memref<64x128xf32, #tpu.memory_space<vmem>>, vector<1x16xf32>,
      %broadcast_in_dim3A_38 = arith.constant 0.000000e+00 : f32
      %broadcast_in_dim3A_39 = vector.broadcast %broadcast_in_dim3A_38 : f32 to vector<16xf32>
      %swap3A_40 = arith.index_cast %scan3A_31 : i32 to index
      %swap3A_41 = arith.constant 16 : index
      %swap3A_42 = tpu.vector_load %arg9[%swap3A_40, %swap3A_41] {strides = array<i32>} : memref<64x128xf32, #tpu.memory_space<vmem>>, vector<1x16xf32>,
      %swap3A_43 = vector.shape_cast %swap3A_42 : vector<1x16xf32> to vector<16xf32>
      %swap3A_44 = vector.shape_cast %broadcast_in_dim3A_39 : vector<16xf32> to vector<1x16xf32>
      tpu.vector_store %arg9[%swap3A_40, %swap3A_41], %swap3A_44 {strides = array<i32>} : memref<64x128xf32, #tpu.memory_space<vmem>>, vector<1x16xf32>,
      %broadcast_in_dim3A_45 = arith.constant 0.000000e+00 : f32
      %broadcast_in_dim3A_46 = vector.broadcast %broadcast_in_dim3A_45 : f32 to vector<16xf32>
      %swap3A_47 = arith.index_cast %scan3A_31 : i32 to index
      %swap3A_48 = arith.constant 32 : index
      %swap3A_49 = tpu.vector_load %arg9[%swap3A_47, %swap3A_48] {strides = array<i32>} : memref<64x128xf32, #tpu.memory_space<vmem>>, vector<1x16xf32>,
      %swap3A_50 = vector.shape_cast %swap3A_49 : vector<1x16xf32> to vector<16xf32>
      %swap3A_51 = vector.shape_cast %broadcast_in_dim3A_46 : vector<16xf32> to vector<1x16xf32>
      tpu.vector_store %arg9[%swap3A_47, %swap3A_48], %swap3A_51 {strides = array<i32>} : memref<64x128xf32, #tpu.memory_space<vmem>>, vector<1x16xf32>,
      %broadcast_in_dim3A_52 = arith.constant 0.000000e+00 : f32
      %broadcast_in_dim3A_53 = vector.broadcast %broadcast_in_dim3A_52 : f32 to vector<16xf32>
      %swap3A_54 = arith.index_cast %scan3A_31 : i32 to index
      %swap3A_55 = arith.constant 48 : index
      %swap3A_56 = tpu.vector_load %arg9[%swap3A_54, %swap3A_55] {strides = array<i32>} : memref<64x128xf32, #tpu.memory_space<vmem>>, vector<1x16xf32>,
      %swap3A_57 = vector.shape_cast %swap3A_56 : vector<1x16xf32> to vector<16xf32>
      %swap3A_58 = vector.shape_cast %broadcast_in_dim3A_53 : vector<16xf32> to vector<1x16xf32>
      tpu.vector_store %arg9[%swap3A_54, %swap3A_55], %swap3A_58 {strides = array<i32>} : memref<64x128xf32, #tpu.memory_space<vmem>>, vector<1x16xf32>,
      %broadcast_in_dim3A_59 = arith.constant 0.000000e+00 : f32
      %broadcast_in_dim3A_60 = vector.broadcast %broadcast_in_dim3A_59 : f32 to vector<16xf32>
      %swap3A_61 = arith.index_cast %scan3A_31 : i32 to index
      %swap3A_62 = arith.constant 64 : index
      %swap3A_63 = tpu.vector_load %arg9[%swap3A_61, %swap3A_62] {strides = array<i32>} : memref<64x128xf32, #tpu.memory_space<vmem>>, vector<1x16xf32>,
      %swap3A_64 = vector.shape_cast %swap3A_63 : vector<1x16xf32> to vector<16xf32>
      %swap3A_65 = vector.shape_cast %broadcast_in_dim3A_60 : vector<16xf32> to vector<1x16xf32>
      tpu.vector_store %arg9[%swap3A_61, %swap3A_62], %swap3A_65 {strides = array<i32>} : memref<64x128xf32, #tpu.memory_space<vmem>>, vector<1x16xf32>,
      %broadcast_in_dim3A_66 = arith.constant 0.000000e+00 : f32
      %broadcast_in_dim3A_67 = vector.broadcast %broadcast_in_dim3A_66 : f32 to vector<16xf32>
      %swap3A_68 = arith.index_cast %scan3A_31 : i32 to index
      %swap3A_69 = arith.constant 80 : index
      %swap3A_70 = tpu.vector_load %arg9[%swap3A_68, %swap3A_69] {strides = array<i32>} : memref<64x128xf32, #tpu.memory_space<vmem>>, vector<1x16xf32>,
      %swap3A_71 = vector.shape_cast %swap3A_70 : vector<1x16xf32> to vector<16xf32>
      %swap3A_72 = vector.shape_cast %broadcast_in_dim3A_67 : vector<16xf32> to vector<1x16xf32>
      tpu.vector_store %arg9[%swap3A_68, %swap3A_69], %swap3A_72 {strides = array<i32>} : memref<64x128xf32, #tpu.memory_space<vmem>>, vector<1x16xf32>,
      %broadcast_in_dim3A_73 = arith.constant 0.000000e+00 : f32
      %broadcast_in_dim3A_74 = vector.broadcast %broadcast_in_dim3A_73 : f32 to vector<16xf32>
      %swap3A_75 = arith.index_cast %scan3A_31 : i32 to index
      %swap3A_76 = arith.constant 96 : index
      %swap3A_77 = tpu.vector_load %arg9[%swap3A_75, %swap3A_76] {strides = array<i32>} : memref<64x128xf32, #tpu.memory_space<vmem>>, vector<1x16xf32>,
      %swap3A_78 = vector.shape_cast %swap3A_77 : vector<1x16xf32> to vector<16xf32>
      %swap3A_79 = vector.shape_cast %broadcast_in_dim3A_74 : vector<16xf32> to vector<1x16xf32>
      tpu.vector_store %arg9[%swap3A_75, %swap3A_76], %swap3A_79 {strides = array<i32>} : memref<64x128xf32, #tpu.memory_space<vmem>>, vector<1x16xf32>,
      %broadcast_in_dim3A_80 = arith.constant 0.000000e+00 : f32
      %broadcast_in_dim3A_81 = vector.broadcast %broadcast_in_dim3A_80 : f32 to vector<16xf32>
      %swap3A_82 = arith.index_cast %scan3A_31 : i32 to index
      %swap3A_83 = arith.constant 112 : index
      %swap3A_84 = tpu.vector_load %arg9[%swap3A_82, %swap3A_83] {strides = array<i32>} : memref<64x128xf32, #tpu.memory_space<vmem>>, vector<1x16xf32>,
      %swap3A_85 = vector.shape_cast %swap3A_84 : vector<1x16xf32> to vector<16xf32>
      %swap3A_86 = vector.shape_cast %broadcast_in_dim3A_81 : vector<16xf32> to vector<1x16xf32>
      tpu.vector_store %arg9[%swap3A_82, %swap3A_83], %swap3A_86 {strides = array<i32>} : memref<64x128xf32, #tpu.memory_space<vmem>>, vector<1x16xf32>,
      %scan3A_87 = arith.constant 0 : i32
      scf.yield %scan3A_87 : i32
    }
    %scan3A_5 = arith.constant 64 : i32
    %scan3A_6 = arith.constant 0 : i32
    %scan3A_7 = arith.constant 0 : i32
    %scan3A_8 = arith.constant 10 : i32
    %scan3A_9 = arith.addi %scan3A_7, %scan3A_8 : i32
    %scan3A_10 = arith.constant 1 : i32
    %scan3A_11 = scf.for %scan3A_31 = %scan3A_7 to %scan3A_9 step %scan3A_10 iter_args(%scan3A_32 = %scan3A_6) -> (i32)  : i32 {
      %mul3A_33 = arith.constant 640 : i32
      %mul3A_34 = arith.muli %arg1, %mul3A_33 : i32
      %mul3A_35 = arith.constant 64 : i32
      %mul3A_36 = arith.muli %scan3A_31, %mul3A_35 : i32
      %add3A_37 = arith.addi %mul3A_34, %mul3A_36 : i32
      "tpu.region"() ({
        %run_scoped3A = tpu.sem_alloc : memref<!tpu.dma_semaphore, #tpu.memory_space<semaphore_mem>>
        %dma_start3A = arith.constant 0 : i32
        %dma_start3A_39 = tpu.memref_slice %arg10[%add3A_37, %dma_start3A] : memref<10240x128xf32, #tpu.memory_space<vmem_shared>> -> memref<64x128xf32, #tpu.memory_space<vmem_shared>>
        %dma_start3A_40 = arith.constant 0 : i32
        %dma_start3A_41 = tpu.memref_slice %arg10[%add3A_37, %dma_start3A_40] : memref<10240x128xf32, #tpu.memory_space<vmem_shared>> -> memref<64x128xf32, #tpu.memory_space<vmem_shared>>
        tpu.enqueue_dma source(%arg9 : memref<64x128xf32, #tpu.memory_space<vmem>>) target(%dma_start3A_41 : memref<64x128xf32, #tpu.memory_space<vmem_shared>>) target_semaphore(%run_scoped3A : memref<!tpu.dma_semaphore, #tpu.memory_space<semaphore_mem>>)
        %dma_wait3A = arith.constant 0 : i32
        %dma_wait3A_42 = tpu.memref_slice %arg10[%add3A_37, %dma_wait3A] : memref<10240x128xf32, #tpu.memory_space<vmem_shared>> -> memref<64x128xf32, #tpu.memory_space<vmem_shared>>
        %dma_wait3A_43 = arith.constant 0 : i32
        %dma_wait3A_44 = tpu.memref_slice %arg10[%add3A_37, %dma_wait3A_43] : memref<10240x128xf32, #tpu.memory_space<vmem_shared>> -> memref<64x128xf32, #tpu.memory_space<vmem_shared>>
        tpu.wait_dma2 semaphore(%run_scoped3A : memref<!tpu.dma_semaphore, #tpu.memory_space<semaphore_mem>>) src(%arg9 : memref<64x128xf32, #tpu.memory_space<vmem>>) dst(%dma_wait3A_44 : memref<64x128xf32, #tpu.memory_space<vmem_shared>>)
        tpu.yield
      }) : () -> ()
      %scan3A_38 = arith.constant 0 : i32
      scf.yield %scan3A_38 : i32
    }
    %scan3A_12 = arith.constant 10 : i32
    %barrier3A = arith.constant 0 : index
    tpu.barrier barrier_id(%barrier3A)
    %mul3A = arith.constant 16 : i32
    %mul3A_13 = arith.muli %arg0, %mul3A : i32
    %add3A = arith.addi %mul3A_13, %arg1 : i32
    %mul3A_14 = arith.constant 10112 : i32
    %mul3A_15 = arith.muli %add3A, %mul3A_14 : i32
    %scan3A_16 = arith.constant 0 : i32
    %scan3A_17 = arith.constant 0 : i32
    %scan3A_18 = arith.constant 79 : i32
    %scan3A_19 = arith.addi %scan3A_17, %scan3A_18 : i32
    %scan3A_20 = arith.constant 1 : i32
    %scan3A_21 = scf.for %scan3A_31 = %scan3A_17 to %scan3A_19 step %scan3A_20 iter_args(%scan3A_32 = %scan3A_16) -> (i32)  : i32 {
      %mul3A_33 = arith.constant 128 : i32
      %mul3A_34 = arith.muli %scan3A_31, %mul3A_33 : i32
      %add3A_35 = arith.addi %mul3A_15, %mul3A_34 : i32
      "tpu.region"() ({
        %run_scoped3A = tpu.sem_alloc : memref<!tpu.dma_semaphore, #tpu.memory_space<semaphore_mem>>
        %dma_start3A_41 = tpu.memref_slice %arg3[%add3A_35] : memref<323584xi32, #tpu.memory_space<hbm>> -> memref<128xi32, #tpu.memory_space<hbm>>
        %dma_start3A_42 = tpu.memref_slice %arg3[%add3A_35] : memref<323584xi32, #tpu.memory_space<hbm>> -> memref<128xi32, #tpu.memory_space<hbm>>
        tpu.enqueue_dma source(%dma_start3A_42 : memref<128xi32, #tpu.memory_space<hbm>>) target(%arg6 : memref<128xi32, #tpu.memory_space<vmem>>) target_semaphore(%run_scoped3A : memref<!tpu.dma_semaphore, #tpu.memory_space<semaphore_mem>>)
        %dma_wait3A_43 = tpu.memref_slice %arg3[%add3A_35] : memref<323584xi32, #tpu.memory_space<hbm>> -> memref<128xi32, #tpu.memory_space<hbm>>
        %dma_wait3A_44 = tpu.memref_slice %arg3[%add3A_35] : memref<323584xi32, #tpu.memory_space<hbm>> -> memref<128xi32, #tpu.memory_space<hbm>>
        tpu.wait_dma2 semaphore(%run_scoped3A : memref<!tpu.dma_semaphore, #tpu.memory_space<semaphore_mem>>) src(%dma_wait3A_44 : memref<128xi32, #tpu.memory_space<hbm>>) dst(%arg6 : memref<128xi32, #tpu.memory_space<vmem>>)
        tpu.yield
      }) : () -> ()
      "tpu.region"() ({
        %run_scoped3A = tpu.sem_alloc : memref<!tpu.dma_semaphore, #tpu.memory_space<semaphore_mem>>
        %dma_start3A_41 = tpu.memref_slice %arg4[%add3A_35] : memref<323584xi32, #tpu.memory_space<hbm>> -> memref<128xi32, #tpu.memory_space<hbm>>
        %dma_start3A_42 = tpu.memref_slice %arg4[%add3A_35] : memref<323584xi32, #tpu.memory_space<hbm>> -> memref<128xi32, #tpu.memory_space<hbm>>
        tpu.enqueue_dma source(%dma_start3A_42 : memref<128xi32, #tpu.memory_space<hbm>>) target(%arg7 : memref<128xi32, #tpu.memory_space<vmem>>) target_semaphore(%run_scoped3A : memref<!tpu.dma_semaphore, #tpu.memory_space<semaphore_mem>>)
        %dma_wait3A_43 = tpu.memref_slice %arg4[%add3A_35] : memref<323584xi32, #tpu.memory_space<hbm>> -> memref<128xi32, #tpu.memory_space<hbm>>
        %dma_wait3A_44 = tpu.memref_slice %arg4[%add3A_35] : memref<323584xi32, #tpu.memory_space<hbm>> -> memref<128xi32, #tpu.memory_space<hbm>>
        tpu.wait_dma2 semaphore(%run_scoped3A : memref<!tpu.dma_semaphore, #tpu.memory_space<semaphore_mem>>) src(%dma_wait3A_44 : memref<128xi32, #tpu.memory_space<hbm>>) dst(%arg7 : memref<128xi32, #tpu.memory_space<vmem>>)
        tpu.yield
      }) : () -> ()
      %dma_start3A = arith.constant 0 : i32
      %dma_start3A_36 = arith.constant 0 : i32
      %dma_start3A_37 = tpu.memref_slice %arg2[%dma_start3A, %dma_start3A_36] : memref<10000x128xf32, #tpu.memory_space<hbm>> -> memref<10000x128xf32, #tpu.memory_space<hbm>>
      tpu.enqueue_indirect_dma source(%dma_start3A_37 : memref<10000x128xf32, #tpu.memory_space<hbm>>) target(%arg8 : memref<128x128xf32, #tpu.memory_space<vmem>>) offsets(%arg6 : memref<128xi32, #tpu.memory_space<vmem>>) semaphore(%arg11 : memref<!tpu.dma_semaphore, #tpu.memory_space<semaphore_mem>>)
      %dma_wait3A = arith.constant 0 : i32
      %dma_wait3A_38 = arith.constant 0 : i32
      %dma_wait3A_39 = tpu.memref_slice %arg2[%dma_wait3A, %dma_wait3A_38] : memref<10000x128xf32, #tpu.memory_space<hbm>> -> memref<10000x128xf32, #tpu.memory_space<hbm>>
      tpu.wait_indirect_dma semaphore(%arg11 : memref<!tpu.dma_semaphore, #tpu.memory_space<semaphore_mem>>) src(%dma_wait3A_39 : memref<10000x128xf32, #tpu.memory_space<hbm>>) dst(%arg8 : memref<128x128xf32, #tpu.memory_space<vmem>>)
      "tpu.region"() ({
        %run_scoped3A = tpu.sem_alloc : memref<!tpu.dma_semaphore, #tpu.memory_space<semaphore_mem>>
        %dma_start3A_41 = arith.constant 0 : i32
        %dma_start3A_42 = arith.constant 0 : i32
        %dma_start3A_43 = tpu.memref_slice %arg10[%dma_start3A_41, %dma_start3A_42] : memref<10240x128xf32, #tpu.memory_space<vmem_shared>> -> memref<10240x128xf32, #tpu.memory_space<vmem_shared>>
        tpu.enqueue_indirect_dma source(%arg8 : memref<128x128xf32, #tpu.memory_space<vmem>>) target(%dma_start3A_43 : memref<10240x128xf32, #tpu.memory_space<vmem_shared>>) offsets(%arg7 : memref<128xi32, #tpu.memory_space<vmem>>) semaphore(%run_scoped3A : memref<!tpu.dma_semaphore, #tpu.memory_space<semaphore_mem>>) {add = true}
        %dma_wait3A_44 = arith.constant 0 : i32
        %dma_wait3A_45 = arith.constant 0 : i32
        %dma_wait3A_46 = tpu.memref_slice %arg10[%dma_wait3A_44, %dma_wait3A_45] : memref<10240x128xf32, #tpu.memory_space<vmem_shared>> -> memref<10240x128xf32, #tpu.memory_space<vmem_shared>>
        tpu.wait_indirect_dma semaphore(%run_scoped3A : memref<!tpu.dma_semaphore, #tpu.memory_space<semaphore_mem>>) src(%arg8 : memref<128x128xf32, #tpu.memory_space<vmem>>) dst(%dma_wait3A_46 : memref<10240x128xf32, #tpu.memory_space<vmem_shared>>)
        tpu.yield
      }) : () -> ()
      %scan3A_40 = arith.constant 0 : i32
      scf.yield %scan3A_40 : i32
    }
    %scan3A_22 = arith.constant 79 : i32
    %barrier3A_23 = arith.constant 0 : index
    tpu.barrier barrier_id(%barrier3A_23)
    %scan3A_24 = arith.constant 0 : i32
    %scan3A_25 = arith.constant 0 : i32
    %scan3A_26 = arith.constant 10 : i32
    %scan3A_27 = arith.addi %scan3A_25, %scan3A_26 : i32
    %scan3A_28 = arith.constant 1 : i32
    %scan3A_29 = scf.for %scan3A_31 = %scan3A_25 to %scan3A_27 step %scan3A_28 iter_args(%scan3A_32 = %scan3A_24) -> (i32)  : i32 {
      %mul3A_33 = arith.constant 640 : i32
      %mul3A_34 = arith.muli %arg1, %mul3A_33 : i32
      %mul3A_35 = arith.constant 64 : i32
      %mul3A_36 = arith.muli %scan3A_31, %mul3A_35 : i32
      %add3A_37 = arith.addi %mul3A_34, %mul3A_36 : i32
      "tpu.region"() ({
        %run_scoped3A = tpu.sem_alloc : memref<!tpu.dma_semaphore, #tpu.memory_space<semaphore_mem>>
        %dma_start3A = arith.constant 0 : i32
        %dma_start3A_39 = arith.constant 0 : i32
        %dma_start3A_40 = tpu.memref_slice %arg8[%dma_start3A, %dma_start3A_39] : memref<128x128xf32, #tpu.memory_space<vmem>> -> memref<64x128xf32, #tpu.memory_space<vmem>>
        %dma_start3A_41 = arith.constant 0 : i32
        %dma_start3A_42 = tpu.memref_slice %arg10[%add3A_37, %dma_start3A_41] : memref<10240x128xf32, #tpu.memory_space<vmem_shared>> -> memref<64x128xf32, #tpu.memory_space<vmem_shared>>
        %dma_start3A_43 = arith.constant 0 : i32
        %dma_start3A_44 = arith.constant 0 : i32
        %dma_start3A_45 = tpu.memref_slice %arg8[%dma_start3A_43, %dma_start3A_44] : memref<128x128xf32, #tpu.memory_space<vmem>> -> memref<64x128xf32, #tpu.memory_space<vmem>>
        %dma_start3A_46 = arith.constant 0 : i32
        %dma_start3A_47 = tpu.memref_slice %arg10[%add3A_37, %dma_start3A_46] : memref<10240x128xf32, #tpu.memory_space<vmem_shared>> -> memref<64x128xf32, #tpu.memory_space<vmem_shared>>
        tpu.enqueue_dma source(%dma_start3A_47 : memref<64x128xf32, #tpu.memory_space<vmem_shared>>) target(%dma_start3A_45 : memref<64x128xf32, #tpu.memory_space<vmem>>) target_semaphore(%run_scoped3A : memref<!tpu.dma_semaphore, #tpu.memory_space<semaphore_mem>>)
        %dma_wait3A = arith.constant 0 : i32
        %dma_wait3A_48 = arith.constant 0 : i32
        %dma_wait3A_49 = tpu.memref_slice %arg8[%dma_wait3A, %dma_wait3A_48] : memref<128x128xf32, #tpu.memory_space<vmem>> -> memref<64x128xf32, #tpu.memory_space<vmem>>
        %dma_wait3A_50 = arith.constant 0 : i32
        %dma_wait3A_51 = tpu.memref_slice %arg10[%add3A_37, %dma_wait3A_50] : memref<10240x128xf32, #tpu.memory_space<vmem_shared>> -> memref<64x128xf32, #tpu.memory_space<vmem_shared>>
        %dma_wait3A_52 = arith.constant 0 : i32
        %dma_wait3A_53 = arith.constant 0 : i32
        %dma_wait3A_54 = tpu.memref_slice %arg8[%dma_wait3A_52, %dma_wait3A_53] : memref<128x128xf32, #tpu.memory_space<vmem>> -> memref<64x128xf32, #tpu.memory_space<vmem>>
        %dma_wait3A_55 = arith.constant 0 : i32
        %dma_wait3A_56 = tpu.memref_slice %arg10[%add3A_37, %dma_wait3A_55] : memref<10240x128xf32, #tpu.memory_space<vmem_shared>> -> memref<64x128xf32, #tpu.memory_space<vmem_shared>>
        tpu.wait_dma2 semaphore(%run_scoped3A : memref<!tpu.dma_semaphore, #tpu.memory_space<semaphore_mem>>) src(%dma_wait3A_56 : memref<64x128xf32, #tpu.memory_space<vmem_shared>>) dst(%dma_wait3A_54 : memref<64x128xf32, #tpu.memory_space<vmem>>)
        tpu.yield
      }) : () -> ()
      "tpu.region"() ({
        %run_scoped3A = tpu.sem_alloc : memref<!tpu.dma_semaphore, #tpu.memory_space<semaphore_mem>>
        %dma_start3A = arith.constant 0 : i32
        %dma_start3A_39 = arith.constant 0 : i32
        %dma_start3A_40 = tpu.memref_slice %arg8[%dma_start3A, %dma_start3A_39] : memref<128x128xf32, #tpu.memory_space<vmem>> -> memref<64x128xf32, #tpu.memory_space<vmem>>
        %dma_start3A_41 = arith.constant 0 : i32
        %dma_start3A_42 = tpu.memref_slice %arg5[%arg0, %add3A_37, %dma_start3A_41] : memref<2x10240x128xf32, #tpu.memory_space<hbm>> -> memref<1x64x128xf32, #tpu.memory_space<hbm>>
        %dma_start3A_43 = tpu.memref_squeeze %dma_start3A_42 : memref<1x64x128xf32, #tpu.memory_space<hbm>> -> memref<64x128xf32, #tpu.memory_space<hbm>>
        %dma_start3A_44 = arith.constant 0 : i32
        %dma_start3A_45 = tpu.memref_slice %arg5[%arg0, %add3A_37, %dma_start3A_44] : memref<2x10240x128xf32, #tpu.memory_space<hbm>> -> memref<1x64x128xf32, #tpu.memory_space<hbm>>
        %dma_start3A_46 = tpu.memref_squeeze %dma_start3A_45 : memref<1x64x128xf32, #tpu.memory_space<hbm>> -> memref<64x128xf32, #tpu.memory_space<hbm>>
        %dma_start3A_47 = arith.constant 0 : i32
        %dma_start3A_48 = arith.constant 0 : i32
        %dma_start3A_49 = tpu.memref_slice %arg8[%dma_start3A_47, %dma_start3A_48] : memref<128x128xf32, #tpu.memory_space<vmem>> -> memref<64x128xf32, #tpu.memory_space<vmem>>
        tpu.enqueue_dma source(%dma_start3A_49 : memref<64x128xf32, #tpu.memory_space<vmem>>) target(%dma_start3A_46 : memref<64x128xf32, #tpu.memory_space<hbm>>) target_semaphore(%run_scoped3A : memref<!tpu.dma_semaphore, #tpu.memory_space<semaphore_mem>>)
        %dma_wait3A = arith.constant 0 : i32
        %dma_wait3A_50 = arith.constant 0 : i32
        %dma_wait3A_51 = tpu.memref_slice %arg8[%dma_wait3A, %dma_wait3A_50] : memref<128x128xf32, #tpu.memory_space<vmem>> -> memref<64x128xf32, #tpu.memory_space<vmem>>
        %dma_wait3A_52 = arith.constant 0 : i32
        %dma_wait3A_53 = tpu.memref_slice %arg5[%arg0, %add3A_37, %dma_wait3A_52] : memref<2x10240x128xf32, #tpu.memory_space<hbm>> -> memref<1x64x128xf32, #tpu.memory_space<hbm>>
        %dma_wait3A_54 = tpu.memref_squeeze %dma_wait3A_53 : memref<1x64x128xf32, #tpu.memory_space<hbm>> -> memref<64x128xf32, #tpu.memory_space<hbm>>
        %dma_wait3A_55 = arith.constant 0 : i32
        %dma_wait3A_56 = tpu.memref_slice %arg5[%arg0, %add3A_37, %dma_wait3A_55] : memref<2x10240x128xf32, #tpu.memory_space<hbm>> -> memref<1x64x128xf32, #tpu.memory_space<hbm>>
        %dma_wait3A_57 = tpu.memref_squeeze %dma_wait3A_56 : memref<1x64x128xf32, #tpu.memory_space<hbm>> -> memref<64x128xf32, #tpu.memory_space<hbm>>
        %dma_wait3A_58 = arith.constant 0 : i32
        %dma_wait3A_59 = arith.constant 0 : i32
        %dma_wait3A_60 = tpu.memref_slice %arg8[%dma_wait3A_58, %dma_wait3A_59] : memref<128x128xf32, #tpu.memory_space<vmem>> -> memref<64x128xf32, #tpu.memory_space<vmem>>
        tpu.wait_dma2 semaphore(%run_scoped3A : memref<!tpu.dma_semaphore, #tpu.memory_space<semaphore_mem>>) src(%dma_wait3A_60 : memref<64x128xf32, #tpu.memory_space<vmem>>) dst(%dma_wait3A_57 : memref<64x128xf32, #tpu.memory_space<hbm>>)
        tpu.yield
      }) : () -> ()
      %scan3A_38 = arith.constant 0 : i32
      scf.yield %scan3A_38 : i32
    }
    %scan3A_30 = arith.constant 10 : i32
    return
  }
}

#map = affine_map<(d0, d1) -> (0, 0)>
#map1 = affine_map<(d0, d1) -> (0)>
#map2 = affine_map<(d0, d1) -> (0, 0, 0)>
module attributes {stable_mosaic.version = 14 : i64} {
  func.func @segsum(%arg0: i32, %arg1: i32, %arg2: memref<10000x128xf32, #tpu.memory_space<hbm>>, %arg3: memref<323584xi32, #tpu.memory_space<hbm>>, %arg4: memref<323584xi32, #tpu.memory_space<hbm>>, %arg5: memref<2x10240x128xf32, #tpu.memory_space<hbm>>, %arg6: memref<128xi32, #tpu.memory_space<vmem>>, %arg7: memref<128xi32, #tpu.memory_space<vmem>>, %arg8: memref<128x128xf32, #tpu.memory_space<vmem>>, %arg9: memref<64x128xf32, #tpu.memory_space<vmem>>, %arg10: memref<10240x128xf32, #tpu.memory_space<vmem_shared>>, %arg11: memref<!tpu.dma_semaphore, #tpu.memory_space<semaphore_mem>>) attributes {dimension_semantics = [#tpu.dimension_semantics<core_parallel>, #tpu.dimension_semantics<subcore_parallel>], iteration_bounds = array<i64: 2, 16>, scalar_prefetch = 0 : i64, scratch_operands = 6 : i64, tpu.core_type = #tpu.core_type<sc_vector_subcore>, window_params = [{transform_indices = #map}, {transform_indices = #map1}, {transform_indices = #map1}, {transform_indices = #map2}]} {
    %scan3A = arith.constant 0 : i32
    %scan3A_0 = arith.constant 0 : i32
    %scan3A_1 = arith.constant 64 : i32
    %scan3A_2 = arith.addi %scan3A_0, %scan3A_1 : i32
    %scan3A_3 = arith.constant 1 : i32
    %scan3A_4 = scf.for %scan3A_31 = %scan3A_0 to %scan3A_2 step %scan3A_3 iter_args(%scan3A_32 = %scan3A) -> (i32)  : i32 {
      %broadcast_in_dim3A = arith.constant 0.000000e+00 : f32
      %broadcast_in_dim3A_33 = vector.broadcast %broadcast_in_dim3A : f32 to vector<16xf32>
      %swap3A = arith.index_cast %scan3A_31 : i32 to index
      %swap3A_34 = arith.constant 0 : index
      %swap3A_35 = tpu.vector_load %arg9[%swap3A, %swap3A_34] {strides = array<i32>} : memref<64x128xf32, #tpu.memory_space<vmem>>, vector<1x16xf32>,
      %swap3A_36 = vector.shape_cast %swap3A_35 : vector<1x16xf32> to vector<16xf32>
      %swap3A_37 = vector.shape_cast %broadcast_in_dim3A_33 : vector<16xf32> to vector<1x16xf32>
      tpu.vector_store %arg9[%swap3A, %swap3A_34], %swap3A_37 {strides = array<i32>} : memref<64x128xf32, #tpu.memory_space<vmem>>, vector<1x16xf32>,
      %broadcast_in_dim3A_38 = arith.constant 0.000000e+00 : f32
      %broadcast_in_dim3A_39 = vector.broadcast %broadcast_in_dim3A_38 : f32 to vector<16xf32>
      %swap3A_40 = arith.index_cast %scan3A_31 : i32 to index
      %swap3A_41 = arith.constant 16 : index
      %swap3A_42 = tpu.vector_load %arg9[%swap3A_40, %swap3A_41] {strides = array<i32>} : memref<64x128xf32, #tpu.memory_space<vmem>>, vector<1x16xf32>,
      %swap3A_43 = vector.shape_cast %swap3A_42 : vector<1x16xf32> to vector<16xf32>
      %swap3A_44 = vector.shape_cast %broadcast_in_dim3A_39 : vector<16xf32> to vector<1x16xf32>
      tpu.vector_store %arg9[%swap3A_40, %swap3A_41], %swap3A_44 {strides = array<i32>} : memref<64x128xf32, #tpu.memory_space<vmem>>, vector<1x16xf32>,
      %broadcast_in_dim3A_45 = arith.constant 0.000000e+00 : f32
      %broadcast_in_dim3A_46 = vector.broadcast %broadcast_in_dim3A_45 : f32 to vector<16xf32>
      %swap3A_47 = arith.index_cast %scan3A_31 : i32 to index
      %swap3A_48 = arith.constant 32 : index
      %swap3A_49 = tpu.vector_load %arg9[%swap3A_47, %swap3A_48] {strides = array<i32>} : memref<64x128xf32, #tpu.memory_space<vmem>>, vector<1x16xf32>,
      %swap3A_50 = vector.shape_cast %swap3A_49 : vector<1x16xf32> to vector<16xf32>
      %swap3A_51 = vector.shape_cast %broadcast_in_dim3A_46 : vector<16xf32> to vector<1x16xf32>
      tpu.vector_store %arg9[%swap3A_47, %swap3A_48], %swap3A_51 {strides = array<i32>} : memref<64x128xf32, #tpu.memory_space<vmem>>, vector<1x16xf32>,
      %broadcast_in_dim3A_52 = arith.constant 0.000000e+00 : f32
      %broadcast_in_dim3A_53 = vector.broadcast %broadcast_in_dim3A_52 : f32 to vector<16xf32>
      %swap3A_54 = arith.index_cast %scan3A_31 : i32 to index
      %swap3A_55 = arith.constant 48 : index
      %swap3A_56 = tpu.vector_load %arg9[%swap3A_54, %swap3A_55] {strides = array<i32>} : memref<64x128xf32, #tpu.memory_space<vmem>>, vector<1x16xf32>,
      %swap3A_57 = vector.shape_cast %swap3A_56 : vector<1x16xf32> to vector<16xf32>
      %swap3A_58 = vector.shape_cast %broadcast_in_dim3A_53 : vector<16xf32> to vector<1x16xf32>
      tpu.vector_store %arg9[%swap3A_54, %swap3A_55], %swap3A_58 {strides = array<i32>} : memref<64x128xf32, #tpu.memory_space<vmem>>, vector<1x16xf32>,
      %broadcast_in_dim3A_59 = arith.constant 0.000000e+00 : f32
      %broadcast_in_dim3A_60 = vector.broadcast %broadcast_in_dim3A_59 : f32 to vector<16xf32>
      %swap3A_61 = arith.index_cast %scan3A_31 : i32 to index
      %swap3A_62 = arith.constant 64 : index
      %swap3A_63 = tpu.vector_load %arg9[%swap3A_61, %swap3A_62] {strides = array<i32>} : memref<64x128xf32, #tpu.memory_space<vmem>>, vector<1x16xf32>,
      %swap3A_64 = vector.shape_cast %swap3A_63 : vector<1x16xf32> to vector<16xf32>
      %swap3A_65 = vector.shape_cast %broadcast_in_dim3A_60 : vector<16xf32> to vector<1x16xf32>
      tpu.vector_store %arg9[%swap3A_61, %swap3A_62], %swap3A_65 {strides = array<i32>} : memref<64x128xf32, #tpu.memory_space<vmem>>, vector<1x16xf32>,
      %broadcast_in_dim3A_66 = arith.constant 0.000000e+00 : f32
      %broadcast_in_dim3A_67 = vector.broadcast %broadcast_in_dim3A_66 : f32 to vector<16xf32>
      %swap3A_68 = arith.index_cast %scan3A_31 : i32 to index
      %swap3A_69 = arith.constant 80 : index
      %swap3A_70 = tpu.vector_load %arg9[%swap3A_68, %swap3A_69] {strides = array<i32>} : memref<64x128xf32, #tpu.memory_space<vmem>>, vector<1x16xf32>,
      %swap3A_71 = vector.shape_cast %swap3A_70 : vector<1x16xf32> to vector<16xf32>
      %swap3A_72 = vector.shape_cast %broadcast_in_dim3A_67 : vector<16xf32> to vector<1x16xf32>
      tpu.vector_store %arg9[%swap3A_68, %swap3A_69], %swap3A_72 {strides = array<i32>} : memref<64x128xf32, #tpu.memory_space<vmem>>, vector<1x16xf32>,
      %broadcast_in_dim3A_73 = arith.constant 0.000000e+00 : f32
      %broadcast_in_dim3A_74 = vector.broadcast %broadcast_in_dim3A_73 : f32 to vector<16xf32>
      %swap3A_75 = arith.index_cast %scan3A_31 : i32 to index
      %swap3A_76 = arith.constant 96 : index
      %swap3A_77 = tpu.vector_load %arg9[%swap3A_75, %swap3A_76] {strides = array<i32>} : memref<64x128xf32, #tpu.memory_space<vmem>>, vector<1x16xf32>,
      %swap3A_78 = vector.shape_cast %swap3A_77 : vector<1x16xf32> to vector<16xf32>
      %swap3A_79 = vector.shape_cast %broadcast_in_dim3A_74 : vector<16xf32> to vector<1x16xf32>
      tpu.vector_store %arg9[%swap3A_75, %swap3A_76], %swap3A_79 {strides = array<i32>} : memref<64x128xf32, #tpu.memory_space<vmem>>, vector<1x16xf32>,
      %broadcast_in_dim3A_80 = arith.constant 0.000000e+00 : f32
      %broadcast_in_dim3A_81 = vector.broadcast %broadcast_in_dim3A_80 : f32 to vector<16xf32>
      %swap3A_82 = arith.index_cast %scan3A_31 : i32 to index
      %swap3A_83 = arith.constant 112 : index
      %swap3A_84 = tpu.vector_load %arg9[%swap3A_82, %swap3A_83] {strides = array<i32>} : memref<64x128xf32, #tpu.memory_space<vmem>>, vector<1x16xf32>,
      %swap3A_85 = vector.shape_cast %swap3A_84 : vector<1x16xf32> to vector<16xf32>
      %swap3A_86 = vector.shape_cast %broadcast_in_dim3A_81 : vector<16xf32> to vector<1x16xf32>
      tpu.vector_store %arg9[%swap3A_82, %swap3A_83], %swap3A_86 {strides = array<i32>} : memref<64x128xf32, #tpu.memory_space<vmem>>, vector<1x16xf32>,
      %scan3A_87 = arith.constant 0 : i32
      scf.yield %scan3A_87 : i32
    }
    %scan3A_5 = arith.constant 64 : i32
    %scan3A_6 = arith.constant 0 : i32
    %scan3A_7 = arith.constant 0 : i32
    %scan3A_8 = arith.constant 10 : i32
    %scan3A_9 = arith.addi %scan3A_7, %scan3A_8 : i32
    %scan3A_10 = arith.constant 1 : i32
    %scan3A_11 = scf.for %scan3A_31 = %scan3A_7 to %scan3A_9 step %scan3A_10 iter_args(%scan3A_32 = %scan3A_6) -> (i32)  : i32 {
      %mul3A_33 = arith.constant 640 : i32
      %mul3A_34 = arith.muli %arg1, %mul3A_33 : i32
      %mul3A_35 = arith.constant 64 : i32
      %mul3A_36 = arith.muli %scan3A_31, %mul3A_35 : i32
      %add3A_37 = arith.addi %mul3A_34, %mul3A_36 : i32
      "tpu.region"() ({
        %run_scoped3A = tpu.sem_alloc : memref<!tpu.dma_semaphore, #tpu.memory_space<semaphore_mem>>
        %dma_start3A = arith.constant 0 : i32
        %dma_start3A_39 = tpu.memref_slice %arg10[%add3A_37, %dma_start3A] : memref<10240x128xf32, #tpu.memory_space<vmem_shared>> -> memref<64x128xf32, #tpu.memory_space<vmem_shared>>
        %dma_start3A_40 = arith.constant 0 : i32
        %dma_start3A_41 = tpu.memref_slice %arg10[%add3A_37, %dma_start3A_40] : memref<10240x128xf32, #tpu.memory_space<vmem_shared>> -> memref<64x128xf32, #tpu.memory_space<vmem_shared>>
        tpu.enqueue_dma source(%arg9 : memref<64x128xf32, #tpu.memory_space<vmem>>) target(%dma_start3A_41 : memref<64x128xf32, #tpu.memory_space<vmem_shared>>) target_semaphore(%run_scoped3A : memref<!tpu.dma_semaphore, #tpu.memory_space<semaphore_mem>>)
        %dma_wait3A = arith.constant 0 : i32
        %dma_wait3A_42 = tpu.memref_slice %arg10[%add3A_37, %dma_wait3A] : memref<10240x128xf32, #tpu.memory_space<vmem_shared>> -> memref<64x128xf32, #tpu.memory_space<vmem_shared>>
        %dma_wait3A_43 = arith.constant 0 : i32
        %dma_wait3A_44 = tpu.memref_slice %arg10[%add3A_37, %dma_wait3A_43] : memref<10240x128xf32, #tpu.memory_space<vmem_shared>> -> memref<64x128xf32, #tpu.memory_space<vmem_shared>>
        tpu.wait_dma2 semaphore(%run_scoped3A : memref<!tpu.dma_semaphore, #tpu.memory_space<semaphore_mem>>) src(%arg9 : memref<64x128xf32, #tpu.memory_space<vmem>>) dst(%dma_wait3A_44 : memref<64x128xf32, #tpu.memory_space<vmem_shared>>)
        tpu.yield
      }) : () -> ()
      %scan3A_38 = arith.constant 0 : i32
      scf.yield %scan3A_38 : i32
    }
    %scan3A_12 = arith.constant 10 : i32
    %barrier3A = arith.constant 0 : index
    tpu.barrier barrier_id(%barrier3A)
    %mul3A = arith.constant 16 : i32
    %mul3A_13 = arith.muli %arg0, %mul3A : i32
    %add3A = arith.addi %mul3A_13, %arg1 : i32
    %mul3A_14 = arith.constant 10112 : i32
    %mul3A_15 = arith.muli %add3A, %mul3A_14 : i32
    %scan3A_16 = arith.constant 0 : i32
    %scan3A_17 = arith.constant 0 : i32
    %scan3A_18 = arith.constant 79 : i32
    %scan3A_19 = arith.addi %scan3A_17, %scan3A_18 : i32
    %scan3A_20 = arith.constant 1 : i32
    %scan3A_21 = scf.for %scan3A_31 = %scan3A_17 to %scan3A_19 step %scan3A_20 iter_args(%scan3A_32 = %scan3A_16) -> (i32)  : i32 {
      %mul3A_33 = arith.constant 128 : i32
      %mul3A_34 = arith.muli %scan3A_31, %mul3A_33 : i32
      %add3A_35 = arith.addi %mul3A_15, %mul3A_34 : i32
      "tpu.region"() ({
        %run_scoped3A = tpu.sem_alloc : memref<!tpu.dma_semaphore, #tpu.memory_space<semaphore_mem>>
        %dma_start3A_41 = tpu.memref_slice %arg3[%add3A_35] : memref<323584xi32, #tpu.memory_space<hbm>> -> memref<128xi32, #tpu.memory_space<hbm>>
        %dma_start3A_42 = tpu.memref_slice %arg3[%add3A_35] : memref<323584xi32, #tpu.memory_space<hbm>> -> memref<128xi32, #tpu.memory_space<hbm>>
        tpu.enqueue_dma source(%dma_start3A_42 : memref<128xi32, #tpu.memory_space<hbm>>) target(%arg6 : memref<128xi32, #tpu.memory_space<vmem>>) target_semaphore(%run_scoped3A : memref<!tpu.dma_semaphore, #tpu.memory_space<semaphore_mem>>)
        %dma_wait3A_43 = tpu.memref_slice %arg3[%add3A_35] : memref<323584xi32, #tpu.memory_space<hbm>> -> memref<128xi32, #tpu.memory_space<hbm>>
        %dma_wait3A_44 = tpu.memref_slice %arg3[%add3A_35] : memref<323584xi32, #tpu.memory_space<hbm>> -> memref<128xi32, #tpu.memory_space<hbm>>
        tpu.wait_dma2 semaphore(%run_scoped3A : memref<!tpu.dma_semaphore, #tpu.memory_space<semaphore_mem>>) src(%dma_wait3A_44 : memref<128xi32, #tpu.memory_space<hbm>>) dst(%arg6 : memref<128xi32, #tpu.memory_space<vmem>>)
        tpu.yield
      }) : () -> ()
      "tpu.region"() ({
        %run_scoped3A = tpu.sem_alloc : memref<!tpu.dma_semaphore, #tpu.memory_space<semaphore_mem>>
        %dma_start3A_41 = tpu.memref_slice %arg4[%add3A_35] : memref<323584xi32, #tpu.memory_space<hbm>> -> memref<128xi32, #tpu.memory_space<hbm>>
        %dma_start3A_42 = tpu.memref_slice %arg4[%add3A_35] : memref<323584xi32, #tpu.memory_space<hbm>> -> memref<128xi32, #tpu.memory_space<hbm>>
        tpu.enqueue_dma source(%dma_start3A_42 : memref<128xi32, #tpu.memory_space<hbm>>) target(%arg7 : memref<128xi32, #tpu.memory_space<vmem>>) target_semaphore(%run_scoped3A : memref<!tpu.dma_semaphore, #tpu.memory_space<semaphore_mem>>)
        %dma_wait3A_43 = tpu.memref_slice %arg4[%add3A_35] : memref<323584xi32, #tpu.memory_space<hbm>> -> memref<128xi32, #tpu.memory_space<hbm>>
        %dma_wait3A_44 = tpu.memref_slice %arg4[%add3A_35] : memref<323584xi32, #tpu.memory_space<hbm>> -> memref<128xi32, #tpu.memory_space<hbm>>
        tpu.wait_dma2 semaphore(%run_scoped3A : memref<!tpu.dma_semaphore, #tpu.memory_space<semaphore_mem>>) src(%dma_wait3A_44 : memref<128xi32, #tpu.memory_space<hbm>>) dst(%arg7 : memref<128xi32, #tpu.memory_space<vmem>>)
        tpu.yield
      }) : () -> ()
      %dma_start3A = arith.constant 0 : i32
      %dma_start3A_36 = arith.constant 0 : i32
      %dma_start3A_37 = tpu.memref_slice %arg2[%dma_start3A, %dma_start3A_36] : memref<10000x128xf32, #tpu.memory_space<hbm>> -> memref<10000x128xf32, #tpu.memory_space<hbm>>
      tpu.enqueue_indirect_dma source(%dma_start3A_37 : memref<10000x128xf32, #tpu.memory_space<hbm>>) target(%arg8 : memref<128x128xf32, #tpu.memory_space<vmem>>) offsets(%arg6 : memref<128xi32, #tpu.memory_space<vmem>>) semaphore(%arg11 : memref<!tpu.dma_semaphore, #tpu.memory_space<semaphore_mem>>)
      %dma_wait3A = arith.constant 0 : i32
      %dma_wait3A_38 = arith.constant 0 : i32
      %dma_wait3A_39 = tpu.memref_slice %arg2[%dma_wait3A, %dma_wait3A_38] : memref<10000x128xf32, #tpu.memory_space<hbm>> -> memref<10000x128xf32, #tpu.memory_space<hbm>>
      tpu.wait_indirect_dma semaphore(%arg11 : memref<!tpu.dma_semaphore, #tpu.memory_space<semaphore_mem>>) src(%dma_wait3A_39 : memref<10000x128xf32, #tpu.memory_space<hbm>>) dst(%arg8 : memref<128x128xf32, #tpu.memory_space<vmem>>)
      "tpu.region"() ({
        %run_scoped3A = tpu.sem_alloc : memref<!tpu.dma_semaphore, #tpu.memory_space<semaphore_mem>>
        %dma_start3A_41 = arith.constant 0 : i32
        %dma_start3A_42 = arith.constant 0 : i32
        %dma_start3A_43 = tpu.memref_slice %arg10[%dma_start3A_41, %dma_start3A_42] : memref<10240x128xf32, #tpu.memory_space<vmem_shared>> -> memref<10240x128xf32, #tpu.memory_space<vmem_shared>>
        tpu.enqueue_indirect_dma source(%arg8 : memref<128x128xf32, #tpu.memory_space<vmem>>) target(%dma_start3A_43 : memref<10240x128xf32, #tpu.memory_space<vmem_shared>>) offsets(%arg7 : memref<128xi32, #tpu.memory_space<vmem>>) semaphore(%run_scoped3A : memref<!tpu.dma_semaphore, #tpu.memory_space<semaphore_mem>>) {add = true}
        %dma_wait3A_44 = arith.constant 0 : i32
        %dma_wait3A_45 = arith.constant 0 : i32
        %dma_wait3A_46 = tpu.memref_slice %arg10[%dma_wait3A_44, %dma_wait3A_45] : memref<10240x128xf32, #tpu.memory_space<vmem_shared>> -> memref<10240x128xf32, #tpu.memory_space<vmem_shared>>
        tpu.wait_indirect_dma semaphore(%run_scoped3A : memref<!tpu.dma_semaphore, #tpu.memory_space<semaphore_mem>>) src(%arg8 : memref<128x128xf32, #tpu.memory_space<vmem>>) dst(%dma_wait3A_46 : memref<10240x128xf32, #tpu.memory_space<vmem_shared>>)
        tpu.yield
      }) : () -> ()
      %scan3A_40 = arith.constant 0 : i32
      scf.yield %scan3A_40 : i32
    }
    %scan3A_22 = arith.constant 79 : i32
    %barrier3A_23 = arith.constant 0 : index
    tpu.barrier barrier_id(%barrier3A_23)
    %scan3A_24 = arith.constant 0 : i32
    %scan3A_25 = arith.constant 0 : i32
    %scan3A_26 = arith.constant 10 : i32
    %scan3A_27 = arith.addi %scan3A_25, %scan3A_26 : i32
    %scan3A_28 = arith.constant 1 : i32
    %scan3A_29 = scf.for %scan3A_31 = %scan3A_25 to %scan3A_27 step %scan3A_28 iter_args(%scan3A_32 = %scan3A_24) -> (i32)  : i32 {
      %mul3A_33 = arith.constant 640 : i32
      %mul3A_34 = arith.muli %arg1, %mul3A_33 : i32
      %mul3A_35 = arith.constant 64 : i32
      %mul3A_36 = arith.muli %scan3A_31, %mul3A_35 : i32
      %add3A_37 = arith.addi %mul3A_34, %mul3A_36 : i32
      "tpu.region"() ({
        %run_scoped3A = tpu.sem_alloc : memref<!tpu.dma_semaphore, #tpu.memory_space<semaphore_mem>>
        %dma_start3A = arith.constant 0 : i32
        %dma_start3A_39 = arith.constant 0 : i32
        %dma_start3A_40 = tpu.memref_slice %arg8[%dma_start3A, %dma_start3A_39] : memref<128x128xf32, #tpu.memory_space<vmem>> -> memref<64x128xf32, #tpu.memory_space<vmem>>
        %dma_start3A_41 = arith.constant 0 : i32
        %dma_start3A_42 = tpu.memref_slice %arg10[%add3A_37, %dma_start3A_41] : memref<10240x128xf32, #tpu.memory_space<vmem_shared>> -> memref<64x128xf32, #tpu.memory_space<vmem_shared>>
        %dma_start3A_43 = arith.constant 0 : i32
        %dma_start3A_44 = arith.constant 0 : i32
        %dma_start3A_45 = tpu.memref_slice %arg8[%dma_start3A_43, %dma_start3A_44] : memref<128x128xf32, #tpu.memory_space<vmem>> -> memref<64x128xf32, #tpu.memory_space<vmem>>
        %dma_start3A_46 = arith.constant 0 : i32
        %dma_start3A_47 = tpu.memref_slice %arg10[%add3A_37, %dma_start3A_46] : memref<10240x128xf32, #tpu.memory_space<vmem_shared>> -> memref<64x128xf32, #tpu.memory_space<vmem_shared>>
        tpu.enqueue_dma source(%dma_start3A_47 : memref<64x128xf32, #tpu.memory_space<vmem_shared>>) target(%dma_start3A_45 : memref<64x128xf32, #tpu.memory_space<vmem>>) target_semaphore(%run_scoped3A : memref<!tpu.dma_semaphore, #tpu.memory_space<semaphore_mem>>)
        %dma_wait3A = arith.constant 0 : i32
        %dma_wait3A_48 = arith.constant 0 : i32
        %dma_wait3A_49 = tpu.memref_slice %arg8[%dma_wait3A, %dma_wait3A_48] : memref<128x128xf32, #tpu.memory_space<vmem>> -> memref<64x128xf32, #tpu.memory_space<vmem>>
        %dma_wait3A_50 = arith.constant 0 : i32
        %dma_wait3A_51 = tpu.memref_slice %arg10[%add3A_37, %dma_wait3A_50] : memref<10240x128xf32, #tpu.memory_space<vmem_shared>> -> memref<64x128xf32, #tpu.memory_space<vmem_shared>>
        %dma_wait3A_52 = arith.constant 0 : i32
        %dma_wait3A_53 = arith.constant 0 : i32
        %dma_wait3A_54 = tpu.memref_slice %arg8[%dma_wait3A_52, %dma_wait3A_53] : memref<128x128xf32, #tpu.memory_space<vmem>> -> memref<64x128xf32, #tpu.memory_space<vmem>>
        %dma_wait3A_55 = arith.constant 0 : i32
        %dma_wait3A_56 = tpu.memref_slice %arg10[%add3A_37, %dma_wait3A_55] : memref<10240x128xf32, #tpu.memory_space<vmem_shared>> -> memref<64x128xf32, #tpu.memory_space<vmem_shared>>
        tpu.wait_dma2 semaphore(%run_scoped3A : memref<!tpu.dma_semaphore, #tpu.memory_space<semaphore_mem>>) src(%dma_wait3A_56 : memref<64x128xf32, #tpu.memory_space<vmem_shared>>) dst(%dma_wait3A_54 : memref<64x128xf32, #tpu.memory_space<vmem>>)
        tpu.yield
      }) : () -> ()
      "tpu.region"() ({
        %run_scoped3A = tpu.sem_alloc : memref<!tpu.dma_semaphore, #tpu.memory_space<semaphore_mem>>
        %dma_start3A = arith.constant 0 : i32
        %dma_start3A_39 = arith.constant 0 : i32
        %dma_start3A_40 = tpu.memref_slice %arg8[%dma_start3A, %dma_start3A_39] : memref<128x128xf32, #tpu.memory_space<vmem>> -> memref<64x128xf32, #tpu.memory_space<vmem>>
        %dma_start3A_41 = arith.constant 0 : i32
        %dma_start3A_42 = tpu.memref_slice %arg5[%arg0, %add3A_37, %dma_start3A_41] : memref<2x10240x128xf32, #tpu.memory_space<hbm>> -> memref<1x64x128xf32, #tpu.memory_space<hbm>>
        %dma_start3A_43 = tpu.memref_squeeze %dma_start3A_42 : memref<1x64x128xf32, #tpu.memory_space<hbm>> -> memref<64x128xf32, #tpu.memory_space<hbm>>
        %dma_start3A_44 = arith.constant 0 : i32
        %dma_start3A_45 = tpu.memref_slice %arg5[%arg0, %add3A_37, %dma_start3A_44] : memref<2x10240x128xf32, #tpu.memory_space<hbm>> -> memref<1x64x128xf32, #tpu.memory_space<hbm>>
        %dma_start3A_46 = tpu.memref_squeeze %dma_start3A_45 : memref<1x64x128xf32, #tpu.memory_space<hbm>> -> memref<64x128xf32, #tpu.memory_space<hbm>>
        %dma_start3A_47 = arith.constant 0 : i32
        %dma_start3A_48 = arith.constant 0 : i32
        %dma_start3A_49 = tpu.memref_slice %arg8[%dma_start3A_47, %dma_start3A_48] : memref<128x128xf32, #tpu.memory_space<vmem>> -> memref<64x128xf32, #tpu.memory_space<vmem>>
        tpu.enqueue_dma source(%dma_start3A_49 : memref<64x128xf32, #tpu.memory_space<vmem>>) target(%dma_start3A_46 : memref<64x128xf32, #tpu.memory_space<hbm>>) target_semaphore(%run_scoped3A : memref<!tpu.dma_semaphore, #tpu.memory_space<semaphore_mem>>)
        %dma_wait3A = arith.constant 0 : i32
        %dma_wait3A_50 = arith.constant 0 : i32
        %dma_wait3A_51 = tpu.memref_slice %arg8[%dma_wait3A, %dma_wait3A_50] : memref<128x128xf32, #tpu.memory_space<vmem>> -> memref<64x128xf32, #tpu.memory_space<vmem>>
        %dma_wait3A_52 = arith.constant 0 : i32
        %dma_wait3A_53 = tpu.memref_slice %arg5[%arg0, %add3A_37, %dma_wait3A_52] : memref<2x10240x128xf32, #tpu.memory_space<hbm>> -> memref<1x64x128xf32, #tpu.memory_space<hbm>>
        %dma_wait3A_54 = tpu.memref_squeeze %dma_wait3A_53 : memref<1x64x128xf32, #tpu.memory_space<hbm>> -> memref<64x128xf32, #tpu.memory_space<hbm>>
        %dma_wait3A_55 = arith.constant 0 : i32
        %dma_wait3A_56 = tpu.memref_slice %arg5[%arg0, %add3A_37, %dma_wait3A_55] : memref<2x10240x128xf32, #tpu.memory_space<hbm>> -> memref<1x64x128xf32, #tpu.memory_space<hbm>>
        %dma_wait3A_57 = tpu.memref_squeeze %dma_wait3A_56 : memref<1x64x128xf32, #tpu.memory_space<hbm>> -> memref<64x128xf32, #tpu.memory_space<hbm>>
        %dma_wait3A_58 = arith.constant 0 : i32
        %dma_wait3A_59 = arith.constant 0 : i32
        %dma_wait3A_60 = tpu.memref_slice %arg8[%dma_wait3A_58, %dma_wait3A_59] : memref<128x128xf32, #tpu.memory_space<vmem>> -> memref<64x128xf32, #tpu.memory_space<vmem>>
        tpu.wait_dma2 semaphore(%run_scoped3A : memref<!tpu.dma_semaphore, #tpu.memory_space<semaphore_mem>>) src(%dma_wait3A_60 : memref<64x128xf32, #tpu.memory_space<vmem>>) dst(%dma_wait3A_57 : memref<64x128xf32, #tpu.memory_space<hbm>>)
        tpu.yield
      }) : () -> ()
      %scan3A_38 = arith.constant 0 : i32
      scf.yield %scan3A_38 : i32
    }
    %scan3A_30 = arith.constant 10 : i32
    return
  }
}

module attributes {stable_mosaic.version = 14 : i64} {
  func.func @_enc_body(%arg0: memref<10000x128xf32, #tpu.memory_space<vmem>>, %arg1: memref<128x128xf32, #tpu.memory_space<vmem>>, %arg2: memref<1x128xf32, #tpu.memory_space<vmem>>, %arg3: memref<1x128xf32, #tpu.memory_space<vmem>>, %arg4: memref<128x128xf32, #tpu.memory_space<vmem>>, %arg5: memref<1x128xf32, #tpu.memory_space<vmem>>, %arg6: memref<1x128xf32, #tpu.memory_space<vmem>>, %arg7: memref<10000x128xf32, #tpu.memory_space<vmem>>) attributes {dimension_semantics = [], scalar_prefetch = 0 : i64, scratch_operands = 0 : i64, tpu.core_type = #tpu.core_type<tc>} {
    %get3A = arith.constant 0 : index
    %get3A_0 = arith.constant 0 : index
    %get3A_1 = vector.load %arg0[%get3A, %get3A_0] : memref<10000x128xf32, #tpu.memory_space<vmem>>, vector<10000x128xf32>
    %get3A_2 = arith.constant 0 : index
    %get3A_3 = arith.constant 0 : index
    %get3A_4 = vector.load %arg1[%get3A_2, %get3A_3] : memref<128x128xf32, #tpu.memory_space<vmem>>, vector<128x128xf32>
    %dot_general3A = arith.constant dense<0.000000e+00> : vector<10000x128xf32>
    %dot_general3A_5 = tpu.matmul %get3A_1, %get3A_4, %dot_general3A {dimension_numbers = #tpu.dot_dimension_numbers<[1], [0], [0], [1], [0, 0, 1, 1], [], []>, transpose_lhs_hint = false} : vector<10000x128xf32>, vector<128x128xf32>, vector<10000x128xf32> -> vector<10000x128xf32>
    %get3A_6 = arith.constant 0 : index
    %get3A_7 = arith.constant 0 : index
    %get3A_8 = vector.load %arg2[%get3A_6, %get3A_7] : memref<1x128xf32, #tpu.memory_space<vmem>>, vector<1x128xf32>
    %add3A = vector.broadcast %get3A_8 : vector<1x128xf32> to vector<10000x128xf32>
    %add3A_9 = arith.addf %dot_general3A_5, %add3A : vector<10000x128xf32>
    %get3A_10 = arith.constant 0 : index
    %get3A_11 = arith.constant 0 : index
    %get3A_12 = vector.load %arg3[%get3A_10, %get3A_11] : memref<1x128xf32, #tpu.memory_space<vmem>>, vector<1x128xf32>
    %mul3A = arith.mulf %add3A_9, %add3A_9 : vector<10000x128xf32>
    %reduce_sum3A = arith.constant dense<0.000000e+00> : vector<10000xf32>
    %reduce_sum3A_13 = vector.multi_reduction <add>, %mul3A, %reduce_sum3A [1] : vector<10000x128xf32> to vector<10000xf32>
    %broadcast_in_dim3A = vector.shape_cast %reduce_sum3A_13 : vector<10000xf32> to vector<10000x1xf32>
    %div3A = arith.constant 1.280000e+02 : f32
    %div3A_14 = vector.broadcast %div3A : f32 to vector<10000x1xf32>
    %div3A_15 = arith.divf %broadcast_in_dim3A, %div3A_14 : vector<10000x1xf32>
    %add3A_16 = arith.constant 9.99999997E-7 : f32
    %add3A_17 = vector.broadcast %add3A_16 : f32 to vector<10000x1xf32>
    %add3A_18 = arith.addf %div3A_15, %add3A_17 : vector<10000x1xf32>
    %rsqrt3A = math.rsqrt %add3A_18 : vector<10000x1xf32>
    %mul3A_19 = vector.broadcast %rsqrt3A : vector<10000x1xf32> to vector<10000x128xf32>
    %mul3A_20 = arith.mulf %add3A_9, %mul3A_19 : vector<10000x128xf32>
    %mul3A_21 = vector.broadcast %get3A_12 : vector<1x128xf32> to vector<10000x128xf32>
    %mul3A_22 = arith.mulf %mul3A_20, %mul3A_21 : vector<10000x128xf32>
    %max3A = arith.constant 0.000000e+00 : f32
    %max3A_23 = vector.broadcast %max3A : f32 to vector<10000x128xf32>
    %max3A_24 = arith.maximumf %mul3A_22, %max3A_23 : vector<10000x128xf32>
    %get3A_25 = arith.constant 0 : index
    %get3A_26 = arith.constant 0 : index
    %get3A_27 = vector.load %arg4[%get3A_25, %get3A_26] : memref<128x128xf32, #tpu.memory_space<vmem>>, vector<128x128xf32>
    %dot_general3A_28 = arith.constant dense<0.000000e+00> : vector<10000x128xf32>
    %dot_general3A_29 = tpu.matmul %max3A_24, %get3A_27, %dot_general3A_28 {dimension_numbers = #tpu.dot_dimension_numbers<[1], [0], [0], [1], [0, 0, 1, 1], [], []>, transpose_lhs_hint = false} : vector<10000x128xf32>, vector<128x128xf32>, vector<10000x128xf32> -> vector<10000x128xf32>
    %get3A_30 = arith.constant 0 : index
    %get3A_31 = arith.constant 0 : index
    %get3A_32 = vector.load %arg5[%get3A_30, %get3A_31] : memref<1x128xf32, #tpu.memory_space<vmem>>, vector<1x128xf32>
    %add3A_33 = vector.broadcast %get3A_32 : vector<1x128xf32> to vector<10000x128xf32>
    %add3A_34 = arith.addf %dot_general3A_29, %add3A_33 : vector<10000x128xf32>
    %get3A_35 = arith.constant 0 : index
    %get3A_36 = arith.constant 0 : index
    %get3A_37 = vector.load %arg6[%get3A_35, %get3A_36] : memref<1x128xf32, #tpu.memory_space<vmem>>, vector<1x128xf32>
    %mul3A_38 = arith.mulf %add3A_34, %add3A_34 : vector<10000x128xf32>
    %reduce_sum3A_39 = arith.constant dense<0.000000e+00> : vector<10000xf32>
    %reduce_sum3A_40 = vector.multi_reduction <add>, %mul3A_38, %reduce_sum3A_39 [1] : vector<10000x128xf32> to vector<10000xf32>
    %broadcast_in_dim3A_41 = vector.shape_cast %reduce_sum3A_40 : vector<10000xf32> to vector<10000x1xf32>
    %div3A_42 = arith.constant 1.280000e+02 : f32
    %div3A_43 = vector.broadcast %div3A_42 : f32 to vector<10000x1xf32>
    %div3A_44 = arith.divf %broadcast_in_dim3A_41, %div3A_43 : vector<10000x1xf32>
    %add3A_45 = arith.constant 9.99999997E-7 : f32
    %add3A_46 = vector.broadcast %add3A_45 : f32 to vector<10000x1xf32>
    %add3A_47 = arith.addf %div3A_44, %add3A_46 : vector<10000x1xf32>
    %rsqrt3A_48 = math.rsqrt %add3A_47 : vector<10000x1xf32>
    %mul3A_49 = vector.broadcast %rsqrt3A_48 : vector<10000x1xf32> to vector<10000x128xf32>
    %mul3A_50 = arith.mulf %add3A_34, %mul3A_49 : vector<10000x128xf32>
    %mul3A_51 = vector.broadcast %get3A_37 : vector<1x128xf32> to vector<10000x128xf32>
    %mul3A_52 = arith.mulf %mul3A_50, %mul3A_51 : vector<10000x128xf32>
    %max3A_53 = arith.constant 0.000000e+00 : f32
    %max3A_54 = vector.broadcast %max3A_53 : f32 to vector<10000x128xf32>
    %max3A_55 = arith.maximumf %mul3A_52, %max3A_54 : vector<10000x128xf32>
    %swap3A = arith.constant 0 : index
    %swap3A_56 = arith.constant 0 : index
    %swap3A_57 = vector.load %arg7[%swap3A, %swap3A_56] : memref<10000x128xf32, #tpu.memory_space<vmem>>, vector<10000x128xf32>
    tpu.vector_store %arg7[%swap3A, %swap3A_56], %max3A_55 {strides = array<i32>} : memref<10000x128xf32, #tpu.memory_space<vmem>>, vector<10000x128xf32>,
    return
  }
}

module attributes {stable_mosaic.version = 14 : i64} {
  func.func @_gin_body(%arg0: memref<10000x128xf32, #tpu.memory_space<vmem>>, %arg1: memref<2x10240x128xf32, #tpu.memory_space<vmem>>, %arg2: memref<128x128xf32, #tpu.memory_space<vmem>>, %arg3: memref<1x128xf32, #tpu.memory_space<vmem>>, %arg4: memref<128x128xf32, #tpu.memory_space<vmem>>, %arg5: memref<1x128xf32, #tpu.memory_space<vmem>>, %arg6: memref<1x128xf32, #tpu.memory_space<vmem>>, %arg7: memref<128x128xf32, #tpu.memory_space<vmem>>, %arg8: memref<1x128xf32, #tpu.memory_space<vmem>>, %arg9: memref<1x128xf32, #tpu.memory_space<vmem>>, %arg10: memref<10000x128xf32, #tpu.memory_space<vmem>>) attributes {dimension_semantics = [], scalar_prefetch = 0 : i64, scratch_operands = 0 : i64, tpu.core_type = #tpu.core_type<tc>} {
    %get3A = arith.constant 0 : index
    %get3A_0 = arith.constant 0 : index
    %get3A_1 = vector.load %arg0[%get3A, %get3A_0] : memref<10000x128xf32, #tpu.memory_space<vmem>>, vector<10000x128xf32>
    %get3A_2 = arith.constant 0 : index
    %get3A_3 = arith.constant 0 : index
    %get3A_4 = vector.load %arg2[%get3A_2, %get3A_3] : memref<128x128xf32, #tpu.memory_space<vmem>>, vector<128x128xf32>
    %dot_general3A = arith.constant dense<0.000000e+00> : vector<10000x128xf32>
    %dot_general3A_5 = tpu.matmul %get3A_1, %get3A_4, %dot_general3A {dimension_numbers = #tpu.dot_dimension_numbers<[1], [0], [0], [1], [0, 0, 1, 1], [], []>, transpose_lhs_hint = false} : vector<10000x128xf32>, vector<128x128xf32>, vector<10000x128xf32> -> vector<10000x128xf32>
    %get3A_6 = arith.constant 0 : index
    %get3A_7 = arith.constant 0 : index
    %get3A_8 = vector.load %arg3[%get3A_6, %get3A_7] : memref<1x128xf32, #tpu.memory_space<vmem>>, vector<1x128xf32>
    %add3A = vector.broadcast %get3A_8 : vector<1x128xf32> to vector<10000x128xf32>
    %add3A_9 = arith.addf %dot_general3A_5, %add3A : vector<10000x128xf32>
    %get3A_10 = arith.constant 0 : index
    %get3A_11 = arith.constant 0 : index
    %get3A_12 = arith.constant 0 : index
    %get3A_13 = vector.load %arg1[%get3A_10, %get3A_11, %get3A_12] : memref<2x10240x128xf32, #tpu.memory_space<vmem>>, vector<1x10000x128xf32>
    %get3A_14 = vector.shape_cast %get3A_13 : vector<1x10000x128xf32> to vector<10000x128xf32>
    %add3A_15 = arith.addf %get3A_1, %get3A_14 : vector<10000x128xf32>
    %get3A_16 = arith.constant 1 : index
    %get3A_17 = arith.constant 0 : index
    %get3A_18 = arith.constant 0 : index
    %get3A_19 = vector.load %arg1[%get3A_16, %get3A_17, %get3A_18] : memref<2x10240x128xf32, #tpu.memory_space<vmem>>, vector<1x10000x128xf32>
    %get3A_20 = vector.shape_cast %get3A_19 : vector<1x10000x128xf32> to vector<10000x128xf32>
    %add3A_21 = arith.addf %add3A_15, %get3A_20 : vector<10000x128xf32>
    %get3A_22 = arith.constant 0 : index
    %get3A_23 = arith.constant 0 : index
    %get3A_24 = vector.load %arg4[%get3A_22, %get3A_23] : memref<128x128xf32, #tpu.memory_space<vmem>>, vector<128x128xf32>
    %dot_general3A_25 = arith.constant dense<0.000000e+00> : vector<10000x128xf32>
    %dot_general3A_26 = tpu.matmul %add3A_21, %get3A_24, %dot_general3A_25 {dimension_numbers = #tpu.dot_dimension_numbers<[1], [0], [0], [1], [0, 0, 1, 1], [], []>, transpose_lhs_hint = false} : vector<10000x128xf32>, vector<128x128xf32>, vector<10000x128xf32> -> vector<10000x128xf32>
    %get3A_27 = arith.constant 0 : index
    %get3A_28 = arith.constant 0 : index
    %get3A_29 = vector.load %arg5[%get3A_27, %get3A_28] : memref<1x128xf32, #tpu.memory_space<vmem>>, vector<1x128xf32>
    %add3A_30 = vector.broadcast %get3A_29 : vector<1x128xf32> to vector<10000x128xf32>
    %add3A_31 = arith.addf %dot_general3A_26, %add3A_30 : vector<10000x128xf32>
    %get3A_32 = arith.constant 0 : index
    %get3A_33 = arith.constant 0 : index
    %get3A_34 = vector.load %arg6[%get3A_32, %get3A_33] : memref<1x128xf32, #tpu.memory_space<vmem>>, vector<1x128xf32>
    %mul3A = arith.mulf %add3A_31, %add3A_31 : vector<10000x128xf32>
    %reduce_sum3A = arith.constant dense<0.000000e+00> : vector<10000xf32>
    %reduce_sum3A_35 = vector.multi_reduction <add>, %mul3A, %reduce_sum3A [1] : vector<10000x128xf32> to vector<10000xf32>
    %broadcast_in_dim3A = vector.shape_cast %reduce_sum3A_35 : vector<10000xf32> to vector<10000x1xf32>
    %div3A = arith.constant 1.280000e+02 : f32
    %div3A_36 = vector.broadcast %div3A : f32 to vector<10000x1xf32>
    %div3A_37 = arith.divf %broadcast_in_dim3A, %div3A_36 : vector<10000x1xf32>
    %add3A_38 = arith.constant 9.99999997E-7 : f32
    %add3A_39 = vector.broadcast %add3A_38 : f32 to vector<10000x1xf32>
    %add3A_40 = arith.addf %div3A_37, %add3A_39 : vector<10000x1xf32>
    %rsqrt3A = math.rsqrt %add3A_40 : vector<10000x1xf32>
    %mul3A_41 = vector.broadcast %rsqrt3A : vector<10000x1xf32> to vector<10000x128xf32>
    %mul3A_42 = arith.mulf %add3A_31, %mul3A_41 : vector<10000x128xf32>
    %mul3A_43 = vector.broadcast %get3A_34 : vector<1x128xf32> to vector<10000x128xf32>
    %mul3A_44 = arith.mulf %mul3A_42, %mul3A_43 : vector<10000x128xf32>
    %max3A = arith.constant 0.000000e+00 : f32
    %max3A_45 = vector.broadcast %max3A : f32 to vector<10000x128xf32>
    %max3A_46 = arith.maximumf %mul3A_44, %max3A_45 : vector<10000x128xf32>
    %get3A_47 = arith.constant 0 : index
    %get3A_48 = arith.constant 0 : index
    %get3A_49 = vector.load %arg7[%get3A_47, %get3A_48] : memref<128x128xf32, #tpu.memory_space<vmem>>, vector<128x128xf32>
    %dot_general3A_50 = arith.constant dense<0.000000e+00> : vector<10000x128xf32>
    %dot_general3A_51 = tpu.matmul %max3A_46, %get3A_49, %dot_general3A_50 {dimension_numbers = #tpu.dot_dimension_numbers<[1], [0], [0], [1], [0, 0, 1, 1], [], []>, transpose_lhs_hint = false} : vector<10000x128xf32>, vector<128x128xf32>, vector<10000x128xf32> -> vector<10000x128xf32>
    %get3A_52 = arith.constant 0 : index
    %get3A_53 = arith.constant 0 : index
    %get3A_54 = vector.load %arg8[%get3A_52, %get3A_53] : memref<1x128xf32, #tpu.memory_space<vmem>>, vector<1x128xf32>
    %add3A_55 = vector.broadcast %get3A_54 : vector<1x128xf32> to vector<10000x128xf32>
    %add3A_56 = arith.addf %dot_general3A_51, %add3A_55 : vector<10000x128xf32>
    %add3A_57 = arith.addf %add3A_56, %add3A_9 : vector<10000x128xf32>
    %get3A_58 = arith.constant 0 : index
    %get3A_59 = arith.constant 0 : index
    %get3A_60 = vector.load %arg9[%get3A_58, %get3A_59] : memref<1x128xf32, #tpu.memory_space<vmem>>, vector<1x128xf32>
    %mul3A_61 = arith.mulf %add3A_57, %add3A_57 : vector<10000x128xf32>
    %reduce_sum3A_62 = arith.constant dense<0.000000e+00> : vector<10000xf32>
    %reduce_sum3A_63 = vector.multi_reduction <add>, %mul3A_61, %reduce_sum3A_62 [1] : vector<10000x128xf32> to vector<10000xf32>
    %broadcast_in_dim3A_64 = vector.shape_cast %reduce_sum3A_63 : vector<10000xf32> to vector<10000x1xf32>
    %div3A_65 = arith.constant 1.280000e+02 : f32
    %div3A_66 = vector.broadcast %div3A_65 : f32 to vector<10000x1xf32>
    %div3A_67 = arith.divf %broadcast_in_dim3A_64, %div3A_66 : vector<10000x1xf32>
    %add3A_68 = arith.constant 9.99999997E-7 : f32
    %add3A_69 = vector.broadcast %add3A_68 : f32 to vector<10000x1xf32>
    %add3A_70 = arith.addf %div3A_67, %add3A_69 : vector<10000x1xf32>
    %rsqrt3A_71 = math.rsqrt %add3A_70 : vector<10000x1xf32>
    %mul3A_72 = vector.broadcast %rsqrt3A_71 : vector<10000x1xf32> to vector<10000x128xf32>
    %mul3A_73 = arith.mulf %add3A_57, %mul3A_72 : vector<10000x128xf32>
    %mul3A_74 = vector.broadcast %get3A_60 : vector<1x128xf32> to vector<10000x128xf32>
    %mul3A_75 = arith.mulf %mul3A_73, %mul3A_74 : vector<10000x128xf32>
    %max3A_76 = arith.constant 0.000000e+00 : f32
    %max3A_77 = vector.broadcast %max3A_76 : f32 to vector<10000x128xf32>
    %max3A_78 = arith.maximumf %mul3A_75, %max3A_77 : vector<10000x128xf32>
    %swap3A = arith.constant 0 : index
    %swap3A_79 = arith.constant 0 : index
    %swap3A_80 = vector.load %arg10[%swap3A, %swap3A_79] : memref<10000x128xf32, #tpu.memory_space<vmem>>, vector<10000x128xf32>
    tpu.vector_store %arg10[%swap3A, %swap3A_79], %max3A_78 {strides = array<i32>} : memref<10000x128xf32, #tpu.memory_space<vmem>>, vector<10000x128xf32>,
    return
  }
}

module attributes {stable_mosaic.version = 14 : i64} {
  func.func @_pma_body(%arg0: memref<10000x128xf32, #tpu.memory_space<vmem>>, %arg1: memref<1x128xf32, #tpu.memory_space<vmem>>, %arg2: memref<128x128xf32, #tpu.memory_space<vmem>>, %arg3: memref<1x128xf32, #tpu.memory_space<vmem>>, %arg4: memref<128x128xf32, #tpu.memory_space<vmem>>, %arg5: memref<1x128xf32, #tpu.memory_space<vmem>>, %arg6: memref<128x128xf32, #tpu.memory_space<vmem>>, %arg7: memref<1x128xf32, #tpu.memory_space<vmem>>, %arg8: memref<128x128xf32, #tpu.memory_space<vmem>>, %arg9: memref<1x128xf32, #tpu.memory_space<vmem>>, %arg10: memref<1x128xf32, #tpu.memory_space<vmem>>, %arg11: memref<1x128xf32, #tpu.memory_space<vmem>>) attributes {dimension_semantics = [], scalar_prefetch = 0 : i64, scratch_operands = 0 : i64, tpu.core_type = #tpu.core_type<tc>} {
    %get3A = arith.constant 0 : index
    %get3A_0 = arith.constant 0 : index
    %get3A_1 = vector.load %arg0[%get3A, %get3A_0] : memref<10000x128xf32, #tpu.memory_space<vmem>>, vector<10000x128xf32>
    %get3A_2 = arith.constant 0 : index
    %get3A_3 = arith.constant 0 : index
    %get3A_4 = vector.load %arg1[%get3A_2, %get3A_3] : memref<1x128xf32, #tpu.memory_space<vmem>>, vector<1x128xf32>
    %get3A_5 = arith.constant 0 : index
    %get3A_6 = arith.constant 0 : index
    %get3A_7 = vector.load %arg2[%get3A_5, %get3A_6] : memref<128x128xf32, #tpu.memory_space<vmem>>, vector<128x128xf32>
    %dot_general3A = arith.constant dense<0.000000e+00> : vector<1x128xf32>
    %dot_general3A_8 = tpu.matmul %get3A_4, %get3A_7, %dot_general3A {dimension_numbers = #tpu.dot_dimension_numbers<[1], [0], [0], [1], [0, 0, 1, 1], [], []>, transpose_lhs_hint = false} : vector<1x128xf32>, vector<128x128xf32>, vector<1x128xf32> -> vector<1x128xf32>
    %get3A_9 = arith.constant 0 : index
    %get3A_10 = arith.constant 0 : index
    %get3A_11 = vector.load %arg3[%get3A_9, %get3A_10] : memref<1x128xf32, #tpu.memory_space<vmem>>, vector<1x128xf32>
    %add3A = arith.addf %dot_general3A_8, %get3A_11 : vector<1x128xf32>
    %get3A_12 = arith.constant 0 : index
    %get3A_13 = arith.constant 0 : index
    %get3A_14 = vector.load %arg4[%get3A_12, %get3A_13] : memref<128x128xf32, #tpu.memory_space<vmem>>, vector<128x128xf32>
    %dot_general3A_15 = arith.constant dense<0.000000e+00> : vector<10000x128xf32>
    %dot_general3A_16 = tpu.matmul %get3A_1, %get3A_14, %dot_general3A_15 {dimension_numbers = #tpu.dot_dimension_numbers<[1], [0], [0], [1], [0, 0, 1, 1], [], []>, transpose_lhs_hint = false} : vector<10000x128xf32>, vector<128x128xf32>, vector<10000x128xf32> -> vector<10000x128xf32>
    %get3A_17 = arith.constant 0 : index
    %get3A_18 = arith.constant 0 : index
    %get3A_19 = vector.load %arg5[%get3A_17, %get3A_18] : memref<1x128xf32, #tpu.memory_space<vmem>>, vector<1x128xf32>
    %add3A_20 = vector.broadcast %get3A_19 : vector<1x128xf32> to vector<10000x128xf32>
    %add3A_21 = arith.addf %dot_general3A_16, %add3A_20 : vector<10000x128xf32>
    %get3A_22 = arith.constant 0 : index
    %get3A_23 = arith.constant 0 : index
    %get3A_24 = vector.load %arg6[%get3A_22, %get3A_23] : memref<128x128xf32, #tpu.memory_space<vmem>>, vector<128x128xf32>
    %dot_general3A_25 = arith.constant dense<0.000000e+00> : vector<10000x128xf32>
    %dot_general3A_26 = tpu.matmul %get3A_1, %get3A_24, %dot_general3A_25 {dimension_numbers = #tpu.dot_dimension_numbers<[1], [0], [0], [1], [0, 0, 1, 1], [], []>, transpose_lhs_hint = false} : vector<10000x128xf32>, vector<128x128xf32>, vector<10000x128xf32> -> vector<10000x128xf32>
    %get3A_27 = arith.constant 0 : index
    %get3A_28 = arith.constant 0 : index
    %get3A_29 = vector.load %arg7[%get3A_27, %get3A_28] : memref<1x128xf32, #tpu.memory_space<vmem>>, vector<1x128xf32>
    %add3A_30 = vector.broadcast %get3A_29 : vector<1x128xf32> to vector<10000x128xf32>
    %add3A_31 = arith.addf %dot_general3A_26, %add3A_30 : vector<10000x128xf32>
    %iota3A = tpu.iota {dimensions = array<i32: 0>} : vector<128x8xi32>
    %iota3A_32 = tpu.iota {dimensions = array<i32: 1>} : vector<128x8xi32>
    %jit3A = arith.constant 16 : i32
    %div3A = vector.broadcast %jit3A : i32 to vector<128x8xi32>
    %div3A_33 = arith.divsi %iota3A, %div3A : vector<128x8xi32>
    %sign3A = arith.constant 0 : i32
    %sign3A_34 = vector.broadcast %sign3A : i32 to vector<128x8xi32>
    %sign3A_35 = arith.cmpi sgt, %iota3A, %sign3A_34 : vector<128x8xi32>
    %sign3A_36 = arith.extui %sign3A_35 : vector<128x8xi1> to vector<128x8xi32>
    %sign3A_37 = arith.constant 0 : i32
    %sign3A_38 = vector.broadcast %sign3A_37 : i32 to vector<128x8xi32>
    %sign3A_39 = arith.cmpi slt, %iota3A, %sign3A_38 : vector<128x8xi32>
    %sign3A_40 = arith.extui %sign3A_39 : vector<128x8xi1> to vector<128x8xi32>
    %sign3A_41 = arith.subi %sign3A_36, %sign3A_40 : vector<128x8xi32>
    %sign3A_42 = arith.constant 0 : i32
    %sign3A_43 = arith.cmpi sgt, %jit3A, %sign3A_42 : i32
    %sign3A_44 = arith.extui %sign3A_43 : i1 to i32
    %sign3A_45 = arith.constant 0 : i32
    %sign3A_46 = arith.cmpi slt, %jit3A, %sign3A_45 : i32
    %sign3A_47 = arith.extui %sign3A_46 : i1 to i32
    %sign3A_48 = arith.subi %sign3A_44, %sign3A_47 : i32
    %ne3A = vector.broadcast %sign3A_48 : i32 to vector<128x8xi32>
    %ne3A_49 = arith.cmpi ne, %sign3A_41, %ne3A : vector<128x8xi32>
    %rem3A = vector.broadcast %jit3A : i32 to vector<128x8xi32>
    %rem3A_50 = arith.remsi %iota3A, %rem3A : vector<128x8xi32>
    %ne3A_51 = arith.constant 0 : i32
    %ne3A_52 = vector.broadcast %ne3A_51 : i32 to vector<128x8xi32>
    %ne3A_53 = arith.cmpi ne, %rem3A_50, %ne3A_52 : vector<128x8xi32>
    %and3A = arith.andi %ne3A_49, %ne3A_53 : vector<128x8xi1>
    %sub3A = arith.constant 1 : i32
    %sub3A_54 = vector.broadcast %sub3A : i32 to vector<128x8xi32>
    %sub3A_55 = arith.subi %div3A_33, %sub3A_54 : vector<128x8xi32>
    %select_n3A = arith.select %and3A, %sub3A_55, %div3A_33 : vector<128x8xi1>, vector<128x8xi32>
    %eq3A = arith.cmpi eq, %select_n3A, %iota3A_32 : vector<128x8xi32>
    %convert_element_type3A = arith.extui %eq3A : vector<128x8xi1> to vector<128x8xi32>
    %convert_element_type3A_56 = arith.sitofp %convert_element_type3A : vector<128x8xi32> to vector<128x8xf32>
    %mul3A = vector.broadcast %add3A : vector<1x128xf32> to vector<10000x128xf32>
    %mul3A_57 = arith.mulf %add3A_21, %mul3A : vector<10000x128xf32>
    %dot_general3A_58 = arith.constant dense<0.000000e+00> : vector<10000x8xf32>
    %dot_general3A_59 = tpu.matmul %mul3A_57, %convert_element_type3A_56, %dot_general3A_58 {dimension_numbers = #tpu.dot_dimension_numbers<[1], [0], [0], [1], [0, 0, 1, 1], [], []>, transpose_lhs_hint = false} : vector<10000x128xf32>, vector<128x8xf32>, vector<10000x8xf32> -> vector<10000x8xf32>
    %sqrt3A = arith.constant 1.600000e+01 : f32
    %sqrt3A_60 = math.sqrt %sqrt3A : f32
    %div3A_61 = arith.constant 1.000000e+00 : f32
    %div3A_62 = arith.divf %div3A_61, %sqrt3A_60 : f32
    %mul3A_63 = vector.broadcast %div3A_62 : f32 to vector<10000x8xf32>
    %mul3A_64 = arith.mulf %dot_general3A_59, %mul3A_63 : vector<10000x8xf32>
    %reduce_max3A = arith.constant dense<0xFF800000> : vector<8xf32>
    %reduce_max3A_65 = vector.multi_reduction <maximumf>, %mul3A_64, %reduce_max3A [0] : vector<10000x8xf32> to vector<8xf32>
    %broadcast_in_dim3A = vector.shape_cast %reduce_max3A_65 : vector<8xf32> to vector<1x8xf32>
    %sub3A_66 = vector.broadcast %broadcast_in_dim3A : vector<1x8xf32> to vector<10000x8xf32>
    %sub3A_67 = arith.subf %mul3A_64, %sub3A_66 : vector<10000x8xf32>
    %exp3A = math.exp %sub3A_67 : vector<10000x8xf32>
    %reduce_sum3A = arith.constant dense<0.000000e+00> : vector<8xf32>
    %reduce_sum3A_68 = vector.multi_reduction <add>, %exp3A, %reduce_sum3A [0] : vector<10000x8xf32> to vector<8xf32>
    %broadcast_in_dim3A_69 = vector.shape_cast %reduce_sum3A_68 : vector<8xf32> to vector<1x8xf32>
    %div3A_70 = vector.broadcast %broadcast_in_dim3A_69 : vector<1x8xf32> to vector<10000x8xf32>
    %div3A_71 = arith.divf %exp3A, %div3A_70 : vector<10000x8xf32>
    %transpose3A = tpu.transpose %convert_element_type3A_56, [1, 0] : vector<128x8xf32> -> vector<8x128xf32>
    %dot_general3A_72 = arith.constant dense<0.000000e+00> : vector<10000x128xf32>
    %dot_general3A_73 = tpu.matmul %div3A_71, %transpose3A, %dot_general3A_72 {dimension_numbers = #tpu.dot_dimension_numbers<[1], [0], [0], [1], [0, 0, 1, 1], [], []>, transpose_lhs_hint = false} : vector<10000x8xf32>, vector<8x128xf32>, vector<10000x128xf32> -> vector<10000x128xf32>
    %mul3A_74 = arith.mulf %add3A_31, %dot_general3A_73 : vector<10000x128xf32>
    %reduce_sum3A_75 = arith.constant dense<0.000000e+00> : vector<128xf32>
    %reduce_sum3A_76 = vector.multi_reduction <add>, %mul3A_74, %reduce_sum3A_75 [0] : vector<10000x128xf32> to vector<128xf32>
    %broadcast_in_dim3A_77 = vector.shape_cast %reduce_sum3A_76 : vector<128xf32> to vector<1x128xf32>
    %get3A_78 = arith.constant 0 : index
    %get3A_79 = arith.constant 0 : index
    %get3A_80 = vector.load %arg8[%get3A_78, %get3A_79] : memref<128x128xf32, #tpu.memory_space<vmem>>, vector<128x128xf32>
    %dot_general3A_81 = arith.constant dense<0.000000e+00> : vector<1x128xf32>
    %dot_general3A_82 = tpu.matmul %broadcast_in_dim3A_77, %get3A_80, %dot_general3A_81 {dimension_numbers = #tpu.dot_dimension_numbers<[1], [0], [0], [1], [0, 0, 1, 1], [], []>, transpose_lhs_hint = false} : vector<1x128xf32>, vector<128x128xf32>, vector<1x128xf32> -> vector<1x128xf32>
    %get3A_83 = arith.constant 0 : index
    %get3A_84 = arith.constant 0 : index
    %get3A_85 = vector.load %arg9[%get3A_83, %get3A_84] : memref<1x128xf32, #tpu.memory_space<vmem>>, vector<1x128xf32>
    %add3A_86 = arith.addf %dot_general3A_82, %get3A_85 : vector<1x128xf32>
    %get3A_87 = arith.constant 0 : index
    %get3A_88 = arith.constant 0 : index
    %get3A_89 = vector.load %arg1[%get3A_87, %get3A_88] : memref<1x128xf32, #tpu.memory_space<vmem>>, vector<1x128xf32>
    %add3A_90 = arith.addf %get3A_89, %add3A_86 : vector<1x128xf32>
    %get3A_91 = arith.constant 0 : index
    %get3A_92 = arith.constant 0 : index
    %get3A_93 = vector.load %arg10[%get3A_91, %get3A_92] : memref<1x128xf32, #tpu.memory_space<vmem>>, vector<1x128xf32>
    %mul3A_94 = arith.mulf %add3A_90, %add3A_90 : vector<1x128xf32>
    %reduce_sum3A_95 = arith.constant dense<0.000000e+00> : vector<1xf32>
    %reduce_sum3A_96 = vector.multi_reduction <add>, %mul3A_94, %reduce_sum3A_95 [1] : vector<1x128xf32> to vector<1xf32>
    %broadcast_in_dim3A_97 = vector.shape_cast %reduce_sum3A_96 : vector<1xf32> to vector<1x1xf32>
    %div3A_98 = arith.constant 1.280000e+02 : f32
    %div3A_99 = vector.broadcast %div3A_98 : f32 to vector<1x1xf32>
    %div3A_100 = arith.divf %broadcast_in_dim3A_97, %div3A_99 : vector<1x1xf32>
    %add3A_101 = arith.constant 9.99999997E-7 : f32
    %add3A_102 = vector.broadcast %add3A_101 : f32 to vector<1x1xf32>
    %add3A_103 = arith.addf %div3A_100, %add3A_102 : vector<1x1xf32>
    %rsqrt3A = math.rsqrt %add3A_103 : vector<1x1xf32>
    %mul3A_104 = vector.broadcast %rsqrt3A : vector<1x1xf32> to vector<1x128xf32>
    %mul3A_105 = arith.mulf %add3A_90, %mul3A_104 : vector<1x128xf32>
    %mul3A_106 = arith.mulf %mul3A_105, %get3A_93 : vector<1x128xf32>
    %swap3A = arith.constant 0 : index
    %swap3A_107 = arith.constant 0 : index
    %swap3A_108 = vector.load %arg11[%swap3A, %swap3A_107] : memref<1x128xf32, #tpu.memory_space<vmem>>, vector<1x128xf32>
    tpu.vector_store %arg11[%swap3A, %swap3A_107], %mul3A_106 {strides = array<i32>} : memref<1x128xf32, #tpu.memory_space<vmem>>, vector<1x128xf32>,
    return
  }
}

</mosaic_0001>

<sc_bundles>
// kernel: kernel.10.cloned.1.call-start
scs
__scs_entry_jumppad:
0x0: {  	(pc) =	sbr.rel $0x88, $3  }
0x1: {  	(tag) =	ssettag $0x0;
	lr =	simm.s32 $0x1  }
0x2: {  	[smem:$0x3F87] =	sst lr;
	_ =	strace $0xD0000000  }
0x3: {  	_ = 	snop  }
0x4: {  	_ = 	snop  }
0x5: {  	_ = 	snop  }
0x6: {  	_ = 	snop  }
0x7: {  	_ = 	snop  }
__scs_overlays_trampoline_lowered:
0x8: {  	[smem:$0x3F96] =	sst s0  }
0x9: {  	[smem:$0x3F97] =	sst s1  }
0xa: {  	[smem:$0x3F98] =	sst s2  }
0xb: {  	[smem:$0x3F99] =	sst s3  }
0xc: {  	[smem:$0x3F9A] =	sst s4  }
0xd: {  	[smem:$0x3F9B] =	sst s5  }
0xe: {  	[smem:$0x3F9C] =	sst s6  }
0xf: {  	[smem:$0x3F9D] =	sst s7  }
0x10: {  	[smem:$0x3F9E] =	sst s8  }
0x11: {  	[smem:$0x3F9F] =	sst s9;
	s0 =	simm.s32 @!p0 $0x0  }
0x12: {  	s1 =	sld [smem:$0x3F85];
	s0 =	simm.s32 @p0 $0x1  }
0x13: {  	[smem:$0x3FA0] =	sst s0;
	s0 =	simm.s32 @!p1 $0x0  }
0x14: {  	s2 =	sld [smem:$0x3F84];
	s0 =	simm.s32 @p1 $0x1  }
0x15: {  	[smem:$0x3FA1] =	sst s0;
	s0 =	simm.s32 @!p2 $0x0  }
0x16: {  	s3 =	sld [smem:$0x3FDB];
	s0 =	simm.s32 @p2 $0x1  }
0x17: {  	s4 =	simm.s32 $0x1BF5;
	[smem:$0x3FA3] =	sst s0  }
0x18: {  	s0 =	sld [smem:$0x3F86];
	_ =	swait.ge [sflag:s4], $0x0  }
0x19: {  	s7 =	sld [smem:$0x3F87]  }
0x1a: {  	s8 =	sadd.s32 $0xFFFFE003, lr  }
0x1b: {  	s9 =	sadd.s32 $0xFFFFFEF7, lr;
	s5 =	simm.s32 $0xFFFFFFFF;
	p2 =	slt.u32 s8, $0xFFFFF086  }
0x1c: {  	p1 =	slt.u32 s9, $0xF7A;
	s5 =	simm.s32 @!p2 $0x0  }
0x1d: {  	s5 =	simm.s32 @p1 $0x1;
	p0 =	seq.s32 s7, s2  }
0x1e: {  	s7 =	smul.u32 @!p0 $0xF7A, s2;
	p2 =	seq.s32 @!p0 s5, $0x0  }
0x1f: {  	s9 =	smul.u32 $0xF7A, s1;
	s8 =	simm.s32 @!p0 $0x1BF5;
	p2 =	por !p2, p0  }
0x20: {  	[sflag:s8] =	ssyncset.s32 @!p0 $0xFFFFF086;
	s6 =	sadd.s32 @!p0 s3, s7;
	s7 =	simm.s32 @!p0 $0x108  }
0x21: {  	s3 =	sadd.s32 s3, s9;
	s6 =	sadd.s32 @!p0 $0x88, s6;
	s7 =	simm.s32 @p2 $0x1082  }
0x22: {  	[simem:s7], [sflag:s8] =	dma.local @!p0 [hbm:s6], $0xF7A  }
0x23: {  	s9 =	sor.u32 $0xD0000000, s2;
	s6 =	simm.s32 $0x108;
	_ =	swait.ge @!p0 [sflag:s8], $0x0  }
0x24: {  	s3 =	sadd.s32 $0x88, s3;
	s6 =	simm.s32 @!p1 $0x1082;
	[sflag:s4] =	ssyncset.s32 $0xFFFFF086  }
0x25: {  	[simem:s6], [sflag:s4] =	dma.local [hbm:s3], $0xF7A  }
0x26: {  	[smem:$0x3F87] =	sst s1;
	(tag) =	ssettag s2;
	_ =	strace s9  }
0x27: {  	s1 =	sld [smem:$0x3F97]  }
0x28: {  	s2 =	sld [smem:$0x3F98]  }
0x29: {  	s4 =	sld [smem:$0x3F9A]  }
0x2a: {  	p0 =	seq.s32 s5, $0x0;
	s5 =	sld [smem:$0x3F9B]  }
0x2b: {  	s6 =	sld [smem:$0x3F9C]  }
0x2c: {  	s7 =	sld [smem:$0x3F9D]  }
0x2d: {  	s3 =	simm.s32 $0x108;
	s8 =	sld [smem:$0x3F9E]  }
0x2e: {  	s3 =	simm.s32 @!p0 $0x1082;
	s9 =	sld [smem:$0x3F9F]  }
0x2f: {  	lr =	sadd.s32 s0, s3;
	s0 =	sld [smem:$0x3F96]  }
0x30: {  	s3 =	sld [smem:$0x3F99]  }
0x31: {  	[smem:$0x3FA2] =	sst s10  }
0x32: {  	s10 =	sld [smem:$0x3FA0];
	_ =	sdelay $0x3  }
0x33: {  	p0 =	seq.s32 s10, $0x1;
	s10 =	sld [smem:$0x3FA2];
	_ =	sdelay $0x3  }
0x34: {  	[smem:$0x3FA2] =	sst s10  }
0x35: {  	s10 =	sld [smem:$0x3FA1];
	_ =	sdelay $0x3  }
0x36: {  	p1 =	seq.s32 s10, $0x1;
	s10 =	sld [smem:$0x3FA2];
	_ =	sdelay $0x3  }
0x37: {  	[smem:$0x3FA2] =	sst s10  }
0x38: {  	s10 =	sld [smem:$0x3FA3]  }
0x39: {  	_ = 	snop;
	(pc) =	sbr.ind lr, $3  }
0x3a: {  	_ = 	snop  }
0x3b: {  	_ = 	snop  }
0x3c: {  	p2 =	seq.s32 s10, $0x1;
	s10 =	sld [smem:$0x3FA2]  }
0x3d: {  	_ =	shalt  }
0x3e: {  	_ =	shalt  }
0x3f: {  	_ =	shalt  }
0x40: {  	_ =	shalt  }
0x41: {  	_ =	shalt  }
0x42: {  	_ =	shalt  }
0x43: {  	_ =	shalt  }
0x44: {  	_ =	shalt  }
0x45: {  	_ =	shalt  }
0x46: {  	_ =	shalt  }
0x47: {  	_ =	shalt  }
0x48: {  	_ =	shalt  }
0x49: {  	_ =	shalt  }
0x4a: {  	_ =	shalt  }
0x4b: {  	_ =	shalt  }
0x4c: {  	_ =	shalt  }
0x4d: {  	_ =	shalt  }
0x4e: {  	_ =	shalt  }
0x4f: {  	_ =	shalt  }
0x50: {  	_ =	shalt  }
0x51: {  	_ =	shalt  }
0x52: {  	_ =	shalt  }
0x53: {  	_ =	shalt  }
0x54: {  	_ =	shalt  }
0x55: {  	_ =	shalt  }
0x56: {  	_ =	shalt  }
0x57: {  	_ =	shalt  }
0x58: {  	_ =	shalt  }
0x59: {  	_ =	shalt  }
0x5a: {  	_ =	shalt  }
0x5b: {  	_ =	shalt  }
0x5c: {  	_ =	shalt  }
0x5d: {  	_ =	shalt  }
0x5e: {  	_ =	shalt  }
0x5f: {  	_ =	shalt  }
0x60: {  	_ =	shalt  }
0x61: {  	_ =	shalt  }
0x62: {  	_ =	shalt  }
0x63: {  	_ =	shalt  }
0x64: {  	_ =	shalt  }
0x65: {  	_ =	shalt  }
0x66: {  	_ =	shalt  }
0x67: {  	_ =	shalt  }
0x68: {  	_ =	shalt  }
0x69: {  	_ =	shalt  }
0x6a: {  	_ =	shalt  }
0x6b: {  	_ =	shalt  }
0x6c: {  	_ =	shalt  }
0x6d: {  	_ =	shalt  }
0x6e: {  	_ =	shalt  }
0x6f: {  	_ =	shalt  }
0x70: {  	_ =	shalt  }
0x71: {  	_ =	shalt  }
0x72: {  	_ =	shalt  }
0x73: {  	_ =	shalt  }
0x74: {  	_ =	shalt  }
0x75: {  	_ =	shalt  }
0x76: {  	_ =	shalt  }
0x77: {  	_ =	shalt  }
0x78: {  	_ =	shalt  }
0x79: {  	_ =	shalt  }
0x7a: {  	_ =	shalt  }
0x7b: {  	_ =	shalt  }
0x7c: {  	_ =	shalt  }
0x7d: {  	_ =	shalt  }
0x7e: {  	_ =	shalt  }
0x7f: {  	_ =	shalt  }
0x80: {  	_ =	shalt  }
0x81: {  	_ =	shalt  }
0x82: {  	_ =	shalt  }
0x83: {  	_ =	shalt  }
0x84: {  	_ =	shalt  }
0x85: {  	_ =	shalt  }
0x86: {  	_ =	shalt  }
0x87: {  	_ =	shalt  }
.Lfunc_end0:
.L_simem_size_0:
called_computation_lowered:
.L_overlay_start_0:
0x88: {  	s2 =	sld [smem:$0x3FD9]  }
0x89: {  	s3 =	sld [smem:$0x3FFE];
	_ =	sdelay $0x1  }
0x8a: {  	s1 =	srdreg.scid  }
0x8b: {  	s0 =	sand.u32 $0x1, s1  }
0x8c: {  	s16 =	sshll.u32 s0, $0xA;
	s2 =	sadd.s32 s3, s2  }
0x8d: {  	s2 =	sadd.s32 s2, s16  }
0x8e: {  	[smem:$0x3FAE] =	sst s2  }
0x8f: {  	_ = 	snop  }
0x90: {  	(tm) =	ssettm $0x1  }
0x91: {  	s17 =	sld [smem:$0x3FFB];
	_ =	sdelay $0x3  }
0x92: {  	_ =	strace s17  }
0x93: {  	s2 =	sld [smem:$0x3FFC];
	_ =	sdelay $0x3  }
0x94: {  	_ =	strace s2  }
0x95: {  	s2 =	sld [smem:$0x3FFD];
	_ =	sdelay $0x3  }
0x96: {  	_ =	strace s2  }
0x97: {  	_ =	strace $0x8FFFFFFF  }
0x98: {  	s18 =	sld [smem:$0x3FDB];
	_ =	sdelay $0x1  }
0x99: {  	s19 =	simm.s32 $_scs_section_size  }
0x9a: {  	s4 =	simm.s32 $_size__tile_overlayer_lowered;
	s5 =	simm.s32 $_tile_overlayer_lowered  }
0x9b: {  	s22 =	simm.s32 $0x1BFF;
	s21 =	sshll.u32 s5, $0x1;
	s2 =	sadd.s32 s19, s18  }
0x9c: {  	s6 =	simm.s32 $0x0;
	s20 =	sshll.u32 s4, $0x1;
	s4 =	sadd.s32 s21, s2  }
0x9d: {  	[timem:s6], [sflag:s22] =	dma.local [hbm:s4], s20  }
0x9e: {  	_ =	swait.ge [sflag:s22], s20  }
0x9f: {  	s3 =	ssub.s32 $0x0, s20;
	[sflag:s22] =	ssyncset.done $0x0  }
0xa0: {  	[sflag:s22] =	ssyncadd.s32 s3;
	_ =	sdelay $0x1  }
0xa1: {  	s23 =	simm.s32 $0x1B8B  }
0xa2: {  	_ =	swait.ge [sflag:s23], $0x1  }
0xa3: {  	[sflag:s23] =	ssyncset.done $0x0  }
0xa4: {  	s25 =	simm.s32 $0x1B8E;
	s24 =	sld [smem:$0x3FFE];
	[sflag:s23] =	ssyncadd.s32 $0xFFFFFFFF  }
0xa5: {  	s26 =	simm.s32 $execute0_lowered;
	[smem:$0x3FD2] =	sst s25  }
0xa6: {  	s4 =	sshll.u32 s26, $0x1;
	_ =	strace $0x80000046;
	[dreg:$0x1] =	wrdreg $0xFFFFFFFF  }
0xa7: {  	s28 =	simm.s32 $_size_execute0_lowered;
	s2 =	sadd.s32 s2, s4;
	[dreg:$0x0] =	wrdreg $0x0  }
0xa8: {  	s4 =	sshll.u32 s28, $0x1;
	[dreg:$0x2] =	wrdreg s2  }
0xa9: {  	[dreg:$0x3] =	wrdreg s4  }
0xaa: {  	[dreg:$0x4] =	wrdreg $0xC0  }
0xab: {  	_ =	task [dreg:s6], $0x5FFFF  }
0xac: {  	[dreg:$0x1] =	wrdreg $0xFFFFFFFF  }
0xad: {  	[dreg:$0x0] =	wrdreg $0x60  }
0xae: {  	[dreg:$0x2] =	wrdreg s24  }
0xaf: {  	[dreg:$0x3] =	wrdreg $0x61000  }
0xb0: {  	[dreg:$0x4] =	wrdreg $0x9  }
0xb1: {  	_ =	task.clear_ibuf [dreg:s6], $0x5FFFF;
	_ =	strace $0x90000046  }
0xb2: {  	s29 =	simm.s32 $0x9;
	_ =	strace $0x80000048  }
0xb3: {  	_ =	swait.ge [sflag:s29], $0x1  }
0xb4: {  	[sflag:s29] =	ssyncadd.s32 $0xFFFFFFFF  }
0xb5: {  	_ =	strace $0x90000048  }
0xb6: {  	_ =	sfence  }
0xb7: {  	s30 =	sld [smem:$0x0];
	_ =	sdelay $0x2  }
0xb8: {  	s31 =	sshll.u32 s1, $0xD;
	s1 =	sshrl.u32 s1, $0x2  }
0xb9: {  	s3 =	sand.u32 $0x4000, s31;
	s1 =	sadd.s32 s1, s30  }
0xba: {  	s0 =	sor.u32 s3, s0;
	s1 =	sshll.u32 s1, $0x11  }
0xbb: {  	s0 =	sor.u32 s1, s0  }
0xbc: {  	s0 =	sadd.s32 $0x8F2B, s0  }
0xbd: {  	[sflag:s0] =	ssyncadd.remote.s32 $0x1  }
0xbe: {  	_ =	sfence.sel $0xFFFF  }
0xbf: {  	[dreg:$0x0] =	wrdreg $0xFFFFFFFF;
	(pc) =	sbr.abs _section_cstart, $3  }
0xc0: {  	[dreg:$0x1] =	wrdreg $0xFFFFFFFF  }
0xc1: {  	_ =	task.clear_ibuf [dreg:s6], $0x2FFFF;
	_ =	strace $0x9FFFFFFF  }
0xc2: {  	(tm) =	ssettm $0x7FFFFFFF  }
0xc3: {  	_ =	shalt  }
tec
execute0_lowered:
.L_overlay_start_1:
0x0: {  	(tag) =	ssettag $0x1  }
0x1: {  	s0 =	srdreg.scid;
	s14 =	stileid.u32  }
0x2: {  	s2 =	rddreg [dreg:$0x0];
	s5 =	smul.u32 $0x14000, s14  }
0x3: {  	s1 =	simm.s32 $0x0;
	s0 =	sand.u32 $0x1, s0;
	s8 =	smul.u32 $0x50000, s14  }
0x4: {  	[smem:$0x7FF] =	sst s1;
	s3 =	smul.u32 $0x140000, s0;
	s4 =	ssub.s32 $0x2, s0  }
0x5: {  	s7 =	sadd.s32 $0x40000, s2;
	s0 =	smul.u32 $0x4F00, s0;
	s6 =	sshrl.u32 s4, $0x1  }
0x6: {  	s9 =	sor.u32 $0x2000, s5;
	s10 =	sadd.s32 $0x4000, s5;
	s12 =	sadd.s32 $0x6000, s5  }
0x7: {  	s4 =	ssub.s32 s4, s6;
	s16 =	sadd.s32 s3, s5;
	s17 =	sadd.s32 s3, s9  }
0x8: {  	s11 =	sadd.s32 s3, s10;
	s19 =	sadd.s32 s3, s12;
	s0 =	sadd.s32 s0, s2  }
0x9: {  	s6 =	sshrl.u32 s16, $0x3;
	s18 =	sshrl.u32 s11, $0x3;
	s20 =	sshrl.u32 s19, $0x3  }
0xa: {  	s11 =	sadd.s32 $0x8000, s5;
	s16 =	sadd.s32 $0xA000, s5;
	s19 =	sshrl.u32 s8, $0x2  }
0xb: {  	s8 =	simm.s32 $0x80;
	s6 =	sadd.s32 s7, s6;
	s13 =	sadd.s32 s3, s16  }
0xc: {  	[dreg:$0x3] =	wrdreg s6;
	s6 =	sshrl.u32 s17, $0x3;
	s17 =	sadd.s32 $0xC000, s5  }
0xd: {  	s22 =	sshrl.u32 s13, $0x3;
	s13 =	rddreg [dreg:$0x1];
	s6 =	sadd.s32 s7, s6  }
0xe: {  	s21 =	sadd.s32 s3, s11;
	s23 =	sadd.s32 s3, s17;
	[dreg:$0x4] =	wrdreg s6  }
0xf: {  	s6 =	sadd.s32 s7, s18;
	s24 =	sshrl.u32 s23, $0x3;
	s23 =	sadd.s32 $0xE000, s5  }
0x10: {  	s18 =	smul.u32 $0x4F0, s14;
	s14 =	sadd.s32 $0x18E00, s2;
	[dreg:$0x5] =	wrdreg s6  }
0x11: {  	s6 =	sadd.s32 s7, s20;
	s25 =	sadd.s32 s3, s23;
	s20 =	smax.u32 s4, $0x1  }
0x12: {  	s23 =	sadd.s32 s23, s13;
	[dreg:$0x6] =	wrdreg s6;
	s6 =	sshrl.u32 s21, $0x3  }
0x13: {  	s0 =	sadd.s32 s18, s0;
	s21 =	sadd.s32 s9, s13;
	s6 =	sadd.s32 s7, s6  }
0x14: {  	s9 =	simm.s32 $0x100;
	s28 =	sadd.s32 $0xF000, s0;
	[dreg:$0x7] =	wrdreg s6  }
0x15: {  	s6 =	sadd.s32 s7, s22;
	s22 =	sadd.s32 s10, s13;
	s10 =	simm.s32 $0x1  }
0x16: {  	[dreg:$0x8] =	wrdreg s6;
	s6 =	sadd.s32 s7, s24;
	s24 =	sadd.s32 $0x10000, s5  }
0x17: {  	s5 =	sadd.s32 $0x12000, s5;
	[dreg:$0x9] =	wrdreg s6;
	s6 =	sshrl.u32 s25, $0x3  }
0x18: {  	s26 =	sadd.s32 s3, s24;
	s3 =	sadd.s32 s3, s5;
	s25 =	sadd.s32 s12, s13  }
0x19: {  	s24 =	sadd.s32 s24, s13;
	s6 =	sadd.s32 s7, s6;
	s15 =	sshrl.u32 s26, $0x3  }
0x1a: {  	s3 =	sshrl.u32 s3, $0x3;
	[dreg:$0xa] =	wrdreg s6;
	s6 =	sadd.s32 s7, s15  }
0x1b: {  	s12 =	simm.s32 $0x0;
	s3 =	sadd.s32 s7, s3;
	[dreg:$0xb] =	wrdreg s6  }
0x1c: {  	s26 =	sadd.s32 s11, s13;
	s15 =	sadd.s32 s19, s13;
	[dreg:$0xc] =	wrdreg s3  }
0x1d: {  	s7 =	simm.s32 $0x2;
	_ =	strace $0x80000047;
	[dreg:$0xd] =	wrdreg s20  }
0x1e: {  	s29 =	sadd.s32 $0x2000, s15;
	s30 =	sadd.s32 $0x4000, s15;
	[dreg:$0xe] =	wrdreg s21  }
0x1f: {  	s31 =	sadd.s32 $0x6000, s15;
	s11 =	sadd.s32 $0x8000, s15;
	[dreg:$0xf] =	wrdreg s22  }
0x20: {  	s2 =	sadd.s32 $0xC000, s15;
	s3 =	sadd.s32 $0xE000, s15;
	[dreg:$0x10] =	wrdreg s25  }
0x21: {  	s4 =	sadd.s32 $0x10000, s15;
	s6 =	simm.s32 $0x4100;
	[dreg:$0x11] =	wrdreg s26  }
0x22: {  	s21 =	sadd.s32 s16, s13;
	s22 =	sadd.s32 s17, s13;
	s25 =	sadd.s32 s5, s13  }
0x23: {  	v0 =	vimm.f32 $0.0e+00;
	s26 =	sadd.s32 $0x5200, s0;
	s0 =	sadd.s32 $0xA000, s15;
	s5 =	sadd.s32 $0x12000, s15  }
.LBB2_1:
0x24: {  	s16 =	simm.s32 $0x0;
	s17 =	simm.s32 $0x200  }
.LBB2_2:
0x25: {  	p0 =	sne.s32 s17, $0x7E00;
	[tilespmem:s16+$0x4170] =	vst v0  }
0x26: {  	[tilespmem:s16+$0x4100] =	vst v0  }
0x27: {  	[tilespmem:s16+$0x4110] =	vst v0  }
.Ltmp0:
0x28: {  	[tilespmem:s16+$0x4120] =	vst v0;
	(pc) =	sbr.rel @p0 .LBB2_2-.Ltmp0, $4  }
0x29: {  	[tilespmem:s16+$0x4130] =	vst v0  }
0x2a: {  	[tilespmem:s16+$0x4140] =	vst v0  }
0x2b: {  	[tilespmem:s16+$0x4150] =	vst v0  }
0x2c: {  	[tilespmem:s16+$0x4160] =	vst v0;
	s16 =	sshra.s32 s17, $0x2;
	s17 =	sadd.s32 $0x200, s17  }
0x2d: {  	[tilespmem:s16+$0x4170] =	vst v0  }
0x2e: {  	[tilespmem:s16+$0x4100] =	vst v0  }
0x2f: {  	[tilespmem:s16+$0x4110] =	vst v0  }
0x30: {  	[tilespmem:s16+$0x4120] =	vst v0  }
0x31: {  	[tilespmem:s16+$0x4130] =	vst v0  }
0x32: {  	[tilespmem:s16+$0x4140] =	vst v0  }
0x33: {  	[tilespmem:s16+$0x4150] =	vst v0  }
0x34: {  	[tilespmem:s16+$0x4160] =	vst v0  }
0x35: {  	[spmem:s15] =	stream.linear.scatter [tilespmem:s6], [sflag:$0x2], $0x2000, $0x38;
	[tilespmem:$0x1A100] =	vst v63  }
0x36: {  	_ =	swait.ge [sflag:s7], $0x2000  }
0x37: {  	[sflag:s7] =	ssyncset.done $0x0  }
0x38: {  	[sflag:s7] =	ssyncadd.s32 $0xFFFFE000  }
0x39: {  	[spmem:s29] =	stream.linear.scatter [tilespmem:s6], [sflag:$0x2], $0x2000, $0x38;
	[tilespmem:$0x1A100] =	vst v63  }
0x3a: {  	_ =	swait.ge [sflag:s7], $0x2000  }
0x3b: {  	[sflag:s7] =	ssyncset.done $0x0  }
0x3c: {  	[sflag:s7] =	ssyncadd.s32 $0xFFFFE000  }
0x3d: {  	[spmem:s30] =	stream.linear.scatter [tilespmem:s6], [sflag:$0x2], $0x2000, $0x38;
	[tilespmem:$0x1A100] =	vst v63  }
0x3e: {  	_ =	swait.ge [sflag:s7], $0x2000  }
0x3f: {  	[sflag:s7] =	ssyncset.done $0x0  }
0x40: {  	[sflag:s7] =	ssyncadd.s32 $0xFFFFE000  }
0x41: {  	[spmem:s31] =	stream.linear.scatter [tilespmem:s6], [sflag:$0x2], $0x2000, $0x38;
	[tilespmem:$0x1A100] =	vst v63  }
0x42: {  	_ =	swait.ge [sflag:s7], $0x2000  }
0x43: {  	[sflag:s7] =	ssyncset.done $0x0  }
0x44: {  	[sflag:s7] =	ssyncadd.s32 $0xFFFFE000  }
0x45: {  	[spmem:s11] =	stream.linear.scatter [tilespmem:s6], [sflag:$0x2], $0x2000, $0x38;
	[tilespmem:$0x1A100] =	vst v63  }
0x46: {  	_ =	swait.ge [sflag:s7], $0x2000  }
0x47: {  	[sflag:s7] =	ssyncset.done $0x0  }
0x48: {  	[sflag:s7] =	ssyncadd.s32 $0xFFFFE000  }
0x49: {  	[spmem:s0] =	stream.linear.scatter [tilespmem:s6], [sflag:$0x2], $0x2000, $0x38;
	[tilespmem:$0x1A100] =	vst v63  }
0x4a: {  	_ =	swait.ge [sflag:s7], $0x2000  }
0x4b: {  	[sflag:s7] =	ssyncset.done $0x0  }
0x4c: {  	[sflag:s7] =	ssyncadd.s32 $0xFFFFE000  }
0x4d: {  	[spmem:s2] =	stream.linear.scatter [tilespmem:s6], [sflag:$0x2], $0x2000, $0x38;
	[tilespmem:$0x1A100] =	vst v63  }
0x4e: {  	_ =	swait.ge [sflag:s7], $0x2000  }
0x4f: {  	[sflag:s7] =	ssyncset.done $0x0  }
0x50: {  	[sflag:s7] =	ssyncadd.s32 $0xFFFFE000  }
0x51: {  	[spmem:s3] =	stream.linear.scatter [tilespmem:s6], [sflag:$0x2], $0x2000, $0x38;
	[tilespmem:$0x1A100] =	vst v63  }
0x52: {  	_ =	swait.ge [sflag:s7], $0x2000  }
0x53: {  	[sflag:s7] =	ssyncset.done $0x0  }
0x54: {  	[sflag:s7] =	ssyncadd.s32 $0xFFFFE000  }
0x55: {  	[spmem:s4] =	stream.linear.scatter [tilespmem:s6], [sflag:$0x2], $0x2000, $0x38;
	[tilespmem:$0x1A100] =	vst v63  }
0x56: {  	_ =	swait.ge [sflag:s7], $0x2000  }
0x57: {  	[sflag:s7] =	ssyncset.done $0x0  }
0x58: {  	[sflag:s7] =	ssyncadd.s32 $0xFFFFE000  }
0x59: {  	[spmem:s5] =	stream.linear.scatter [tilespmem:s6], [sflag:$0x2], $0x2000, $0x38;
	[tilespmem:$0x1A100] =	vst v63  }
0x5a: {  	_ =	swait.ge [sflag:s7], $0x2000  }
0x5b: {  	[sflag:s7] =	ssyncset.done $0x0  }
0x5c: {  	[sflag:s7] =	ssyncadd.s32 $0xFFFFE000  }
0x5d: {  	s19 =	sadd.s32 $0x0, s28;
	[bflag:$0x0] =	sbarrier.arrive $0xFFFF  }
0x5e: {  	[tilespmem:s1], [sflag:$0x2] =	stream.linear.gather [hbm4b:s19+s1], $0x80, $0x38;
	[tilespmem:$0x1A100] =	vst v63  }
0x5f: {  	_ =	swait.ge [sflag:s7], $0x80  }
0x60: {  	[sflag:s7] =	ssyncset.done $0x0  }
0x61: {  	s20 =	sadd.s32 $0x0, s26;
	[sflag:s7] =	ssyncadd.s32 $0xFFFFFF80  }
0x62: {  	[tilespmem:s8], [sflag:$0x2] =	stream.linear.gather [hbm4b:s20+s1], $0x80, $0x38;
	[tilespmem:$0x1A100] =	vst v63  }
0x63: {  	_ =	swait.ge [sflag:s7], $0x80  }
0x64: {  	[sflag:s7] =	ssyncset.done $0x0  }
0x65: {  	[sflag:s7] =	ssyncadd.s32 $0xFFFFFF80  }
0x66: {  	[tilespmem:s9], [sflag:$0x1] =	stream.indirect.gather [hbm4b:s14+s8], $0x80, s1, s8, $0xb8;
	[tilespmem:$0x1A100] =	vst v63  }
0x67: {  	_ =	swait.ge [sflag:s10], $0x4000  }
0x68: {  	[sflag:s10] =	ssyncset.done $0x0  }
0x69: {  	[sflag:s10] =	ssyncadd.s32 $0xFFFFC000  }
0x6a: {  	[spmem:s13] =	stream.indirect.scatter.add.f32 [tilespmem:s9], [sflag:$0x2], $0x80, s8, s8, $0xb8;
	[tilespmem:$0x1A100] =	vst v63  }
0x6b: {  	_ =	swait.ge [sflag:s7], $0x4000  }
0x6c: {  	s16 =	simm.s32 $0x10;
	s17 =	simm.s32 $0x20;
	[sflag:s7] =	ssyncset.done $0x0  }
.LBB2_4:
0x6d: {  	s18 =	sadd.s32 s16, s28  }
0x6e: {  	[sflag:s7] =	ssyncadd.s32 $0xFFFFC000;
	s19 =	smov.u32 s17;
	s20 =	sadd.s32 $0x10, s17  }
0x6f: {  	[tilespmem:s1], [sflag:$0x2] =	stream.linear.gather [hbm4b:s18+s1], $0x80, $0x38;
	[tilespmem:$0x1A100] =	vst v63  }
0x70: {  	p0 =	sne.s32 s17, $0x4E0;
	_ =	swait.ge [sflag:s7], $0x80  }
0x71: {  	[sflag:s7] =	ssyncset.done $0x0  }
0x72: {  	s17 =	sadd.s32 s16, s26;
	s16 =	smov.u32 s19;
	[sflag:s7] =	ssyncadd.s32 $0xFFFFFF80  }
0x73: {  	[tilespmem:s8], [sflag:$0x2] =	stream.linear.gather [hbm4b:s17+s1], $0x80, $0x38;
	[tilespmem:$0x1A100] =	vst v63  }
0x74: {  	_ =	swait.ge [sflag:s7], $0x80  }
0x75: {  	[sflag:s7] =	ssyncset.done $0x0  }
0x76: {  	[sflag:s7] =	ssyncadd.s32 $0xFFFFFF80  }
0x77: {  	[tilespmem:s9], [sflag:$0x1] =	stream.indirect.gather [hbm4b:s14+s8], $0x80, s1, s8, $0xb8;
	[tilespmem:$0x1A100] =	vst v63  }
0x78: {  	_ =	swait.ge [sflag:s10], $0x4000  }
.Ltmp1:
0x79: {  	[sflag:s10] =	ssyncset.done $0x0;
	(pc) =	sbr.rel @p0 .LBB2_4-.Ltmp1, $4  }
0x7a: {  	[sflag:s10] =	ssyncadd.s32 $0xFFFFC000  }
0x7b: {  	[spmem:s13] =	stream.indirect.scatter.add.f32 [tilespmem:s9], [sflag:$0x2], $0x80, s8, s8, $0xb8;
	[tilespmem:$0x1A100] =	vst v63  }
0x7c: {  	_ =	swait.ge [sflag:s7], $0x4000  }
0x7d: {  	s17 =	smov.u32 s20;
	[sflag:s7] =	ssyncset.done $0x0  }
0x7e: {  	s17 =	sadd.s32 s16, s28;
	[sflag:s7] =	ssyncadd.s32 $0xFFFFC000  }
0x7f: {  	[tilespmem:s1], [sflag:$0x2] =	stream.linear.gather [hbm4b:s17+s1], $0x80, $0x38;
	[tilespmem:$0x1A100] =	vst v63  }
0x80: {  	_ =	swait.ge [sflag:s7], $0x80  }
0x81: {  	[sflag:s7] =	ssyncset.done $0x0  }
0x82: {  	s17 =	sadd.s32 s16, s26;
	[sflag:s7] =	ssyncadd.s32 $0xFFFFFF80  }
0x83: {  	[tilespmem:s8], [sflag:$0x2] =	stream.linear.gather [hbm4b:s17+s1], $0x80, $0x38;
	[tilespmem:$0x1A100] =	vst v63  }
0x84: {  	_ =	swait.ge [sflag:s7], $0x80  }
0x85: {  	[sflag:s7] =	ssyncset.done $0x0  }
0x86: {  	[sflag:s7] =	ssyncadd.s32 $0xFFFFFF80  }
0x87: {  	[tilespmem:s9], [sflag:$0x1] =	stream.indirect.gather [hbm4b:s14+s8], $0x80, s1, s8, $0xb8;
	[tilespmem:$0x1A100] =	vst v63  }
0x88: {  	_ =	swait.ge [sflag:s10], $0x4000  }
0x89: {  	[sflag:s10] =	ssyncset.done $0x0  }
0x8a: {  	[sflag:s10] =	ssyncadd.s32 $0xFFFFC000  }
0x8b: {  	[spmem:s13] =	stream.indirect.scatter.add.f32 [tilespmem:s9], [sflag:$0x2], $0x80, s8, s8, $0xb8;
	[tilespmem:$0x1A100] =	vst v63  }
0x8c: {  	_ =	swait.ge [sflag:s7], $0x4000  }
0x8d: {  	[sflag:s7] =	ssyncset.done $0x0  }
0x8e: {  	[sflag:s7] =	ssyncadd.s32 $0xFFFFC000  }
0x8f: {  	[bflag:$0x0] =	sbarrier.arrive $0xFFFF  }
0x90: {  	[tilespmem:s9], [sflag:$0x2] =	stream.linear.gather [spmem:s15], $0x2000, $0x38;
	[tilespmem:$0x1A100] =	vst v63  }
0x91: {  	_ =	swait.ge [sflag:s7], $0x2000  }
0x92: {  	[sflag:s7] =	ssyncset.done $0x0  }
0x93: {  	s18 =	rddreg [dreg:$0x3];
	[sflag:s7] =	ssyncadd.s32 $0xFFFFE000  }
0x94: {  	[hbm4b:s18+s1] =	stream.linear.scatter [tilespmem:s9], [sflag:$0x2], $0x2000, $0x38;
	[tilespmem:$0x1A100] =	vst v63  }
0x95: {  	_ =	swait.ge [sflag:s7], $0x2000  }
0x96: {  	[sflag:s7] =	ssyncset.done $0x0  }
0x97: {  	s19 =	rddreg [dreg:$0xe];
	[sflag:s7] =	ssyncadd.s32 $0xFFFFE000  }
0x98: {  	[tilespmem:s9], [sflag:$0x2] =	stream.linear.gather [spmem:s19], $0x2000, $0x38;
	[tilespmem:$0x1A100] =	vst v63  }
0x99: {  	_ =	swait.ge [sflag:s7], $0x2000  }
0x9a: {  	[sflag:s7] =	ssyncset.done $0x0  }
0x9b: {  	s20 =	rddreg [dreg:$0x4];
	[sflag:s7] =	ssyncadd.s32 $0xFFFFE000  }
0x9c: {  	[hbm4b:s20+s1] =	stream.linear.scatter [tilespmem:s9], [sflag:$0x2], $0x2000, $0x38;
	[tilespmem:$0x1A100] =	vst v63  }
0x9d: {  	_ =	swait.ge [sflag:s7], $0x2000  }
0x9e: {  	[sflag:s7] =	ssyncset.done $0x0  }
0x9f: {  	s17 =	rddreg [dreg:$0xf];
	[sflag:s7] =	ssyncadd.s32 $0xFFFFE000  }
0xa0: {  	[tilespmem:s9], [sflag:$0x2] =	stream.linear.gather [spmem:s17], $0x2000, $0x38;
	[tilespmem:$0x1A100] =	vst v63  }
0xa1: {  	_ =	swait.ge [sflag:s7], $0x2000  }
0xa2: {  	[sflag:s7] =	ssyncset.done $0x0  }
0xa3: {  	s18 =	rddreg [dreg:$0x5];
	[sflag:s7] =	ssyncadd.s32 $0xFFFFE000  }
0xa4: {  	[hbm4b:s18+s1] =	stream.linear.scatter [tilespmem:s9], [sflag:$0x2], $0x2000, $0x38;
	[tilespmem:$0x1A100] =	vst v63  }
0xa5: {  	_ =	swait.ge [sflag:s7], $0x2000  }
0xa6: {  	[sflag:s7] =	ssyncset.done $0x0  }
0xa7: {  	s19 =	rddreg [dreg:$0x10];
	[sflag:s7] =	ssyncadd.s32 $0xFFFFE000  }
0xa8: {  	[tilespmem:s9], [sflag:$0x2] =	stream.linear.gather [spmem:s19], $0x2000, $0x38;
	[tilespmem:$0x1A100] =	vst v63  }
0xa9: {  	_ =	swait.ge [sflag:s7], $0x2000  }
0xaa: {  	[sflag:s7] =	ssyncset.done $0x0  }
0xab: {  	s20 =	rddreg [dreg:$0x6];
	[sflag:s7] =	ssyncadd.s32 $0xFFFFE000  }
0xac: {  	[hbm4b:s20+s1] =	stream.linear.scatter [tilespmem:s9], [sflag:$0x2], $0x2000, $0x38;
	[tilespmem:$0x1A100] =	vst v63  }
0xad: {  	_ =	swait.ge [sflag:s7], $0x2000  }
0xae: {  	[sflag:s7] =	ssyncset.done $0x0  }
0xaf: {  	s17 =	rddreg [dreg:$0x11];
	[sflag:s7] =	ssyncadd.s32 $0xFFFFE000  }
0xb0: {  	[tilespmem:s9], [sflag:$0x2] =	stream.linear.gather [spmem:s17], $0x2000, $0x38;
	[tilespmem:$0x1A100] =	vst v63  }
0xb1: {  	_ =	swait.ge [sflag:s7], $0x2000  }
0xb2: {  	[sflag:s7] =	ssyncset.done $0x0  }
0xb3: {  	s18 =	rddreg [dreg:$0x7];
	[sflag:s7] =	ssyncadd.s32 $0xFFFFE000  }
0xb4: {  	[hbm4b:s18+s1] =	stream.linear.scatter [tilespmem:s9], [sflag:$0x2], $0x2000, $0x38;
	[tilespmem:$0x1A100] =	vst v63  }
0xb5: {  	_ =	swait.ge [sflag:s7], $0x2000  }
0xb6: {  	[sflag:s7] =	ssyncset.done $0x0  }
0xb7: {  	[sflag:s7] =	ssyncadd.s32 $0xFFFFE000  }
0xb8: {  	[tilespmem:s9], [sflag:$0x2] =	stream.linear.gather [spmem:s21], $0x2000, $0x38;
	[tilespmem:$0x1A100] =	vst v63  }
0xb9: {  	_ =	swait.ge [sflag:s7], $0x2000  }
0xba: {  	[sflag:s7] =	ssyncset.done $0x0  }
0xbb: {  	s19 =	rddreg [dreg:$0x8];
	[sflag:s7] =	ssyncadd.s32 $0xFFFFE000  }
0xbc: {  	[hbm4b:s19+s1] =	stream.linear.scatter [tilespmem:s9], [sflag:$0x2], $0x2000, $0x38;
	[tilespmem:$0x1A100] =	vst v63  }
0xbd: {  	_ =	swait.ge [sflag:s7], $0x2000  }
0xbe: {  	[sflag:s7] =	ssyncset.done $0x0  }
0xbf: {  	[sflag:s7] =	ssyncadd.s32 $0xFFFFE000  }
0xc0: {  	[tilespmem:s9], [sflag:$0x2] =	stream.linear.gather [spmem:s22], $0x2000, $0x38;
	[tilespmem:$0x1A100] =	vst v63  }
0xc1: {  	_ =	swait.ge [sflag:s7], $0x2000  }
0xc2: {  	[sflag:s7] =	ssyncset.done $0x0  }
0xc3: {  	s20 =	rddreg [dreg:$0x9];
	[sflag:s7] =	ssyncadd.s32 $0xFFFFE000  }
0xc4: {  	[hbm4b:s20+s1] =	stream.linear.scatter [tilespmem:s9], [sflag:$0x2], $0x2000, $0x38;
	[tilespmem:$0x1A100] =	vst v63  }
0xc5: {  	_ =	swait.ge [sflag:s7], $0x2000  }
0xc6: {  	[sflag:s7] =	ssyncset.done $0x0  }
0xc7: {  	[sflag:s7] =	ssyncadd.s32 $0xFFFFE000  }
0xc8: {  	[tilespmem:s9], [sflag:$0x2] =	stream.linear.gather [spmem:s23], $0x2000, $0x38;
	[tilespmem:$0x1A100] =	vst v63  }
0xc9: {  	_ =	swait.ge [sflag:s7], $0x2000  }
0xca: {  	[sflag:s7] =	ssyncset.done $0x0  }
0xcb: {  	s17 =	rddreg [dreg:$0xa];
	[sflag:s7] =	ssyncadd.s32 $0xFFFFE000  }
0xcc: {  	[hbm4b:s17+s1] =	stream.linear.scatter [tilespmem:s9], [sflag:$0x2], $0x2000, $0x38;
	[tilespmem:$0x1A100] =	vst v63  }
0xcd: {  	_ =	swait.ge [sflag:s7], $0x2000  }
0xce: {  	[sflag:s7] =	ssyncset.done $0x0  }
0xcf: {  	[sflag:s7] =	ssyncadd.s32 $0xFFFFE000  }
0xd0: {  	[tilespmem:s9], [sflag:$0x2] =	stream.linear.gather [spmem:s24], $0x2000, $0x38;
	[tilespmem:$0x1A100] =	vst v63  }
0xd1: {  	_ =	swait.ge [sflag:s7], $0x2000  }
0xd2: {  	[sflag:s7] =	ssyncset.done $0x0  }
0xd3: {  	s18 =	rddreg [dreg:$0xb];
	[sflag:s7] =	ssyncadd.s32 $0xFFFFE000  }
0xd4: {  	[hbm4b:s18+s1] =	stream.linear.scatter [tilespmem:s9], [sflag:$0x2], $0x2000, $0x38;
	[tilespmem:$0x1A100] =	vst v63  }
0xd5: {  	_ =	swait.ge [sflag:s7], $0x2000  }
0xd6: {  	[sflag:s7] =	ssyncset.done $0x0  }
0xd7: {  	[sflag:s7] =	ssyncadd.s32 $0xFFFFE000  }
0xd8: {  	[tilespmem:s9], [sflag:$0x2] =	stream.linear.gather [spmem:s25], $0x2000, $0x38;
	[tilespmem:$0x1A100] =	vst v63  }
0xd9: {  	_ =	swait.ge [sflag:s7], $0x2000  }
0xda: {  	[sflag:s7] =	ssyncset.done $0x0  }
0xdb: {  	s19 =	rddreg [dreg:$0xc];
	[sflag:s7] =	ssyncadd.s32 $0xFFFFE000  }
0xdc: {  	[hbm4b:s19+s1] =	stream.linear.scatter [tilespmem:s9], [sflag:$0x2], $0x2000, $0x38;
	[tilespmem:$0x1A100] =	vst v63  }
0xdd: {  	_ =	swait.ge [sflag:s7], $0x2000  }
0xde: {  	s12 =	sadd.s32 $0x1, s12;
	s20 =	rddreg [dreg:$0xd]  }
0xdf: {  	p0 =	sne.s32 s12, s20  }
.Ltmp2:
0xe0: {  	_ = 	snop;
	(pc) =	sbr.rel @p0 .LBB2_1-.Ltmp2, $3  }
0xe1: {  	_ =	sdelay $0x1  }
0xe2: {  	[sflag:s7] =	ssyncset.done $0x0  }
0xe3: {  	[sflag:s7] =	ssyncadd.s32 $0xFFFFE000  }
0xe4: {  	_ =	sfence.sel $0x180000  }
0xe5: {  	[bflag:$0x0] =	sbarrier.arrive $0xFFFF  }
0xe6: {  	_ =	strace $0x90000047  }
0xe7: {  	s0 =	stileid.u32;
	[bflag:$0x2] =	sbarrier.arrive $0xFFFF  }
0xe8: {  	p0 =	sne.s32 s0, $0x0;
	s0 =	rddreg [dreg:$0x2]  }
0xe9: {  	s0 =	sadd.s32 @!p0 $0x100000, s0  }
0xea: {  	[sflag:s0] =	ssyncadd.tile.s32 @!p0 $0x1;
	_ =	shalt  }
.Lfunc_end2:
_tile_overlayer_lowered:
.L_overlay_start_2:
0xeb: {  	(tag) =	ssettag $0x2  }
0xec: {  	s0 =	rddreg [dreg:$0x0];
	s2 =	stileid.u32  }
0xed: {  	s1 =	rddreg [dreg:$0x1];
	p0 =	sne.s32 s2, $0x0  }
0xee: {  	s3 =	rddreg [dreg:$0x2];
	[bflag:$0x3] =	sbarrier.arrive $0xFFFF;
	s2 =	simm.s32 @!p0 $0x1C02  }
0xef: {  	[timem:s3], [sflag:s2] =	dma.local @!p0 [hbm:s0], s1  }
0xf0: {  	s0 =	simm.s32 @!p0 $0x2  }
0xf1: {  	_ =	swait.ge @!p0 [sflag:s0], s1  }
0xf2: {  	s1 =	ssub.s32 @!p0 $0x0, s1;
	[sflag:s0] =	ssyncset.done @!p0 $0x0  }
0xf3: {  	[sflag:s0] =	ssyncadd.s32 @!p0 s1  }
0xf4: {  	[bflag:$0x3] =	sbarrier.arrive $0xFFFF  }
0xf5: {  	_ =	shalt  }

// kernel: kernel.13.cloned.1.call-start
scs
__scs_entry_jumppad:
0x0: {  	(pc) =	sbr.rel $0x88, $3  }
0x1: {  	(tag) =	ssettag $0x0;
	lr =	simm.s32 $0x1  }
0x2: {  	[smem:$0x3F87] =	sst lr;
	_ =	strace $0xD0000000  }
0x3: {  	_ = 	snop  }
0x4: {  	_ = 	snop  }
0x5: {  	_ = 	snop  }
0x6: {  	_ = 	snop  }
0x7: {  	_ = 	snop  }
__scs_overlays_trampoline_lowered:
0x8: {  	[smem:$0x3F96] =	sst s0  }
0x9: {  	[smem:$0x3F97] =	sst s1  }
0xa: {  	[smem:$0x3F98] =	sst s2  }
0xb: {  	[smem:$0x3F99] =	sst s3  }
0xc: {  	[smem:$0x3F9A] =	sst s4  }
0xd: {  	[smem:$0x3F9B] =	sst s5  }
0xe: {  	[smem:$0x3F9C] =	sst s6  }
0xf: {  	[smem:$0x3F9D] =	sst s7  }
0x10: {  	[smem:$0x3F9E] =	sst s8  }
0x11: {  	[smem:$0x3F9F] =	sst s9;
	s0 =	simm.s32 @!p0 $0x0  }
0x12: {  	s1 =	sld [smem:$0x3F85];
	s0 =	simm.s32 @p0 $0x1  }
0x13: {  	[smem:$0x3FA0] =	sst s0;
	s0 =	simm.s32 @!p1 $0x0  }
0x14: {  	s2 =	sld [smem:$0x3F84];
	s0 =	simm.s32 @p1 $0x1  }
0x15: {  	[smem:$0x3FA1] =	sst s0;
	s0 =	simm.s32 @!p2 $0x0  }
0x16: {  	s3 =	sld [smem:$0x3FDB];
	s0 =	simm.s32 @p2 $0x1  }
0x17: {  	s4 =	simm.s32 $0x1BF5;
	[smem:$0x3FA3] =	sst s0  }
0x18: {  	s0 =	sld [smem:$0x3F86];
	_ =	swait.ge [sflag:s4], $0x0  }
0x19: {  	s7 =	sld [smem:$0x3F87]  }
0x1a: {  	s8 =	sadd.s32 $0xFFFFE003, lr  }
0x1b: {  	s9 =	sadd.s32 $0xFFFFFEF7, lr;
	s5 =	simm.s32 $0xFFFFFFFF;
	p2 =	slt.u32 s8, $0xFFFFF086  }
0x1c: {  	p1 =	slt.u32 s9, $0xF7A;
	s5 =	simm.s32 @!p2 $0x0  }
0x1d: {  	s5 =	simm.s32 @p1 $0x1;
	p0 =	seq.s32 s7, s2  }
0x1e: {  	s7 =	smul.u32 @!p0 $0xF7A, s2;
	p2 =	seq.s32 @!p0 s5, $0x0  }
0x1f: {  	s9 =	smul.u32 $0xF7A, s1;
	s8 =	simm.s32 @!p0 $0x1BF5;
	p2 =	por !p2, p0  }
0x20: {  	[sflag:s8] =	ssyncset.s32 @!p0 $0xFFFFF086;
	s6 =	sadd.s32 @!p0 s3, s7;
	s7 =	simm.s32 @!p0 $0x108  }
0x21: {  	s3 =	sadd.s32 s3, s9;
	s6 =	sadd.s32 @!p0 $0x88, s6;
	s7 =	simm.s32 @p2 $0x1082  }
0x22: {  	[simem:s7], [sflag:s8] =	dma.local @!p0 [hbm:s6], $0xF7A  }
0x23: {  	s9 =	sor.u32 $0xD0000000, s2;
	s6 =	simm.s32 $0x108;
	_ =	swait.ge @!p0 [sflag:s8], $0x0  }
0x24: {  	s3 =	sadd.s32 $0x88, s3;
	s6 =	simm.s32 @!p1 $0x1082;
	[sflag:s4] =	ssyncset.s32 $0xFFFFF086  }
0x25: {  	[simem:s6], [sflag:s4] =	dma.local [hbm:s3], $0xF7A  }
0x26: {  	[smem:$0x3F87] =	sst s1;
	(tag) =	ssettag s2;
	_ =	strace s9  }
0x27: {  	s1 =	sld [smem:$0x3F97]  }
0x28: {  	s2 =	sld [smem:$0x3F98]  }
0x29: {  	s4 =	sld [smem:$0x3F9A]  }
0x2a: {  	p0 =	seq.s32 s5, $0x0;
	s5 =	sld [smem:$0x3F9B]  }
0x2b: {  	s6 =	sld [smem:$0x3F9C]  }
0x2c: {  	s7 =	sld [smem:$0x3F9D]  }
0x2d: {  	s3 =	simm.s32 $0x108;
	s8 =	sld [smem:$0x3F9E]  }
0x2e: {  	s3 =	simm.s32 @!p0 $0x1082;
	s9 =	sld [smem:$0x3F9F]  }
0x2f: {  	lr =	sadd.s32 s0, s3;
	s0 =	sld [smem:$0x3F96]  }
0x30: {  	s3 =	sld [smem:$0x3F99]  }
0x31: {  	[smem:$0x3FA2] =	sst s10  }
0x32: {  	s10 =	sld [smem:$0x3FA0];
	_ =	sdelay $0x3  }
0x33: {  	p0 =	seq.s32 s10, $0x1;
	s10 =	sld [smem:$0x3FA2];
	_ =	sdelay $0x3  }
0x34: {  	[smem:$0x3FA2] =	sst s10  }
0x35: {  	s10 =	sld [smem:$0x3FA1];
	_ =	sdelay $0x3  }
0x36: {  	p1 =	seq.s32 s10, $0x1;
	s10 =	sld [smem:$0x3FA2];
	_ =	sdelay $0x3  }
0x37: {  	[smem:$0x3FA2] =	sst s10  }
0x38: {  	s10 =	sld [smem:$0x3FA3]  }
0x39: {  	_ = 	snop;
	(pc) =	sbr.ind lr, $3  }
0x3a: {  	_ = 	snop  }
0x3b: {  	_ = 	snop  }
0x3c: {  	p2 =	seq.s32 s10, $0x1;
	s10 =	sld [smem:$0x3FA2]  }
0x3d: {  	_ =	shalt  }
0x3e: {  	_ =	shalt  }
0x3f: {  	_ =	shalt  }
0x40: {  	_ =	shalt  }
0x41: {  	_ =	shalt  }
0x42: {  	_ =	shalt  }
0x43: {  	_ =	shalt  }
0x44: {  	_ =	shalt  }
0x45: {  	_ =	shalt  }
0x46: {  	_ =	shalt  }
0x47: {  	_ =	shalt  }
0x48: {  	_ =	shalt  }
0x49: {  	_ =	shalt  }
0x4a: {  	_ =	shalt  }
0x4b: {  	_ =	shalt  }
0x4c: {  	_ =	shalt  }
0x4d: {  	_ =	shalt  }
0x4e: {  	_ =	shalt  }
0x4f: {  	_ =	shalt  }
0x50: {  	_ =	shalt  }
0x51: {  	_ =	shalt  }
0x52: {  	_ =	shalt  }
0x53: {  	_ =	shalt  }
0x54: {  	_ =	shalt  }
0x55: {  	_ =	shalt  }
0x56: {  	_ =	shalt  }
0x57: {  	_ =	shalt  }
0x58: {  	_ =	shalt  }
0x59: {  	_ =	shalt  }
0x5a: {  	_ =	shalt  }
0x5b: {  	_ =	shalt  }
0x5c: {  	_ =	shalt  }
0x5d: {  	_ =	shalt  }
0x5e: {  	_ =	shalt  }
0x5f: {  	_ =	shalt  }
0x60: {  	_ =	shalt  }
0x61: {  	_ =	shalt  }
0x62: {  	_ =	shalt  }
0x63: {  	_ =	shalt  }
0x64: {  	_ =	shalt  }
0x65: {  	_ =	shalt  }
0x66: {  	_ =	shalt  }
0x67: {  	_ =	shalt  }
0x68: {  	_ =	shalt  }
0x69: {  	_ =	shalt  }
0x6a: {  	_ =	shalt  }
0x6b: {  	_ =	shalt  }
0x6c: {  	_ =	shalt  }
0x6d: {  	_ =	shalt  }
0x6e: {  	_ =	shalt  }
0x6f: {  	_ =	shalt  }
0x70: {  	_ =	shalt  }
0x71: {  	_ =	shalt  }
0x72: {  	_ =	shalt  }
0x73: {  	_ =	shalt  }
0x74: {  	_ =	shalt  }
0x75: {  	_ =	shalt  }
0x76: {  	_ =	shalt  }
0x77: {  	_ =	shalt  }
0x78: {  	_ =	shalt  }
0x79: {  	_ =	shalt  }
0x7a: {  	_ =	shalt  }
0x7b: {  	_ =	shalt  }
0x7c: {  	_ =	shalt  }
0x7d: {  	_ =	shalt  }
0x7e: {  	_ =	shalt  }
0x7f: {  	_ =	shalt  }
0x80: {  	_ =	shalt  }
0x81: {  	_ =	shalt  }
0x82: {  	_ =	shalt  }
0x83: {  	_ =	shalt  }
0x84: {  	_ =	shalt  }
0x85: {  	_ =	shalt  }
0x86: {  	_ =	shalt  }
0x87: {  	_ =	shalt  }
.Lfunc_end0:
.L_simem_size_0:
called_computation.1_lowered:
.L_overlay_start_0:
0x88: {  	s2 =	sld [smem:$0x3FD9]  }
0x89: {  	s3 =	sld [smem:$0x3FFE];
	_ =	sdelay $0x1  }
0x8a: {  	s1 =	srdreg.scid  }
0x8b: {  	s0 =	sand.u32 $0x1, s1  }
0x8c: {  	s16 =	sshll.u32 s0, $0xA;
	s2 =	sadd.s32 s3, s2  }
0x8d: {  	s2 =	sadd.s32 s2, s16  }
0x8e: {  	[smem:$0x3FAE] =	sst s2  }
0x8f: {  	_ = 	snop  }
0x90: {  	(tm) =	ssettm $0x1  }
0x91: {  	s17 =	sld [smem:$0x3FFB];
	_ =	sdelay $0x3  }
0x92: {  	_ =	strace s17  }
0x93: {  	s2 =	sld [smem:$0x3FFC];
	_ =	sdelay $0x3  }
0x94: {  	_ =	strace s2  }
0x95: {  	s2 =	sld [smem:$0x3FFD];
	_ =	sdelay $0x3  }
0x96: {  	_ =	strace s2  }
0x97: {  	_ =	strace $0x8FFFFFFF  }
0x98: {  	s18 =	sld [smem:$0x3FDB];
	_ =	sdelay $0x1  }
0x99: {  	s19 =	simm.s32 $_scs_section_size  }
0x9a: {  	s4 =	simm.s32 $_size__tile_overlayer_lowered;
	s5 =	simm.s32 $_tile_overlayer_lowered  }
0x9b: {  	s22 =	simm.s32 $0x1BFF;
	s21 =	sshll.u32 s5, $0x1;
	s2 =	sadd.s32 s19, s18  }
0x9c: {  	s6 =	simm.s32 $0x0;
	s20 =	sshll.u32 s4, $0x1;
	s4 =	sadd.s32 s21, s2  }
0x9d: {  	[timem:s6], [sflag:s22] =	dma.local [hbm:s4], s20  }
0x9e: {  	_ =	swait.ge [sflag:s22], s20  }
0x9f: {  	s3 =	ssub.s32 $0x0, s20;
	[sflag:s22] =	ssyncset.done $0x0  }
0xa0: {  	[sflag:s22] =	ssyncadd.s32 s3;
	_ =	sdelay $0x1  }
0xa1: {  	s23 =	simm.s32 $0x1B8B  }
0xa2: {  	_ =	swait.ge [sflag:s23], $0x1  }
0xa3: {  	[sflag:s23] =	ssyncset.done $0x0  }
0xa4: {  	s25 =	simm.s32 $0x1B8E;
	s24 =	sld [smem:$0x3FFE];
	[sflag:s23] =	ssyncadd.s32 $0xFFFFFFFF  }
0xa5: {  	s26 =	simm.s32 $execute0_lowered;
	[smem:$0x3FD2] =	sst s25  }
0xa6: {  	s4 =	sshll.u32 s26, $0x1;
	_ =	strace $0x80000049;
	[dreg:$0x1] =	wrdreg $0xFFFFFFFF  }
0xa7: {  	s28 =	simm.s32 $_size_execute0_lowered;
	s2 =	sadd.s32 s2, s4;
	[dreg:$0x0] =	wrdreg $0x0  }
0xa8: {  	s4 =	sshll.u32 s28, $0x1;
	[dreg:$0x2] =	wrdreg s2  }
0xa9: {  	[dreg:$0x3] =	wrdreg s4  }
0xaa: {  	[dreg:$0x4] =	wrdreg $0xC0  }
0xab: {  	_ =	task [dreg:s6], $0x5FFFF  }
0xac: {  	[dreg:$0x1] =	wrdreg $0xFFFFFFFF  }
0xad: {  	[dreg:$0x0] =	wrdreg $0x60  }
0xae: {  	[dreg:$0x2] =	wrdreg s24  }
0xaf: {  	[dreg:$0x3] =	wrdreg $0x61000  }
0xb0: {  	[dreg:$0x4] =	wrdreg $0x9  }
0xb1: {  	_ =	task.clear_ibuf [dreg:s6], $0x5FFFF;
	_ =	strace $0x90000049  }
0xb2: {  	s29 =	simm.s32 $0x9;
	_ =	strace $0x8000004B  }
0xb3: {  	_ =	swait.ge [sflag:s29], $0x1  }
0xb4: {  	[sflag:s29] =	ssyncadd.s32 $0xFFFFFFFF  }
0xb5: {  	_ =	strace $0x9000004B  }
0xb6: {  	_ =	sfence  }
0xb7: {  	s30 =	sld [smem:$0x0];
	_ =	sdelay $0x2  }
0xb8: {  	s31 =	sshll.u32 s1, $0xD;
	s1 =	sshrl.u32 s1, $0x2  }
0xb9: {  	s3 =	sand.u32 $0x4000, s31;
	s1 =	sadd.s32 s1, s30  }
0xba: {  	s0 =	sor.u32 s3, s0;
	s1 =	sshll.u32 s1, $0x11  }
0xbb: {  	s0 =	sor.u32 s1, s0  }
0xbc: {  	s0 =	sadd.s32 $0x8F2B, s0  }
0xbd: {  	[sflag:s0] =	ssyncadd.remote.s32 $0x1  }
0xbe: {  	_ =	sfence.sel $0xFFFF  }
0xbf: {  	[dreg:$0x0] =	wrdreg $0xFFFFFFFF;
	(pc) =	sbr.abs _section_cstart, $3  }
0xc0: {  	[dreg:$0x1] =	wrdreg $0xFFFFFFFF  }
0xc1: {  	_ =	task.clear_ibuf [dreg:s6], $0x2FFFF;
	_ =	strace $0x9FFFFFFF  }
0xc2: {  	(tm) =	ssettm $0x7FFFFFFF  }
0xc3: {  	_ =	shalt  }
tec
execute0_lowered:
.L_overlay_start_1:
0x0: {  	(tag) =	ssettag $0x1  }
0x1: {  	s0 =	srdreg.scid;
	s14 =	stileid.u32  }
0x2: {  	s2 =	rddreg [dreg:$0x0];
	s5 =	smul.u32 $0x14000, s14  }
0x3: {  	s1 =	simm.s32 $0x0;
	s0 =	sand.u32 $0x1, s0;
	s8 =	smul.u32 $0x50000, s14  }
0x4: {  	[smem:$0x7FF] =	sst s1;
	s3 =	smul.u32 $0x140000, s0;
	s4 =	ssub.s32 $0x2, s0  }
0x5: {  	s7 =	sadd.s32 $0x40000, s2;
	s0 =	smul.u32 $0x4F00, s0;
	s6 =	sshrl.u32 s4, $0x1  }
0x6: {  	s9 =	sor.u32 $0x2000, s5;
	s10 =	sadd.s32 $0x4000, s5;
	s12 =	sadd.s32 $0x6000, s5  }
0x7: {  	s4 =	ssub.s32 s4, s6;
	s16 =	sadd.s32 s3, s5;
	s17 =	sadd.s32 s3, s9  }
0x8: {  	s11 =	sadd.s32 s3, s10;
	s19 =	sadd.s32 s3, s12;
	s0 =	sadd.s32 s0, s2  }
0x9: {  	s6 =	sshrl.u32 s16, $0x3;
	s18 =	sshrl.u32 s11, $0x3;
	s20 =	sshrl.u32 s19, $0x3  }
0xa: {  	s11 =	sadd.s32 $0x8000, s5;
	s16 =	sadd.s32 $0xA000, s5;
	s19 =	sshrl.u32 s8, $0x2  }
0xb: {  	s8 =	simm.s32 $0x80;
	s6 =	sadd.s32 s7, s6;
	s13 =	sadd.s32 s3, s16  }
0xc: {  	[dreg:$0x3] =	wrdreg s6;
	s6 =	sshrl.u32 s17, $0x3;
	s17 =	sadd.s32 $0xC000, s5  }
0xd: {  	s22 =	sshrl.u32 s13, $0x3;
	s13 =	rddreg [dreg:$0x1];
	s6 =	sadd.s32 s7, s6  }
0xe: {  	s21 =	sadd.s32 s3, s11;
	s23 =	sadd.s32 s3, s17;
	[dreg:$0x4] =	wrdreg s6  }
0xf: {  	s6 =	sadd.s32 s7, s18;
	s24 =	sshrl.u32 s23, $0x3;
	s23 =	sadd.s32 $0xE000, s5  }
0x10: {  	s18 =	smul.u32 $0x4F0, s14;
	s14 =	sadd.s32 $0x18E00, s2;
	[dreg:$0x5] =	wrdreg s6  }
0x11: {  	s6 =	sadd.s32 s7, s20;
	s25 =	sadd.s32 s3, s23;
	s20 =	smax.u32 s4, $0x1  }
0x12: {  	s23 =	sadd.s32 s23, s13;
	[dreg:$0x6] =	wrdreg s6;
	s6 =	sshrl.u32 s21, $0x3  }
0x13: {  	s0 =	sadd.s32 s18, s0;
	s21 =	sadd.s32 s9, s13;
	s6 =	sadd.s32 s7, s6  }
0x14: {  	s9 =	simm.s32 $0x100;
	s28 =	sadd.s32 $0xF000, s0;
	[dreg:$0x7] =	wrdreg s6  }
0x15: {  	s6 =	sadd.s32 s7, s22;
	s22 =	sadd.s32 s10, s13;
	s10 =	simm.s32 $0x1  }
0x16: {  	[dreg:$0x8] =	wrdreg s6;
	s6 =	sadd.s32 s7, s24;
	s24 =	sadd.s32 $0x10000, s5  }
0x17: {  	s5 =	sadd.s32 $0x12000, s5;
	[dreg:$0x9] =	wrdreg s6;
	s6 =	sshrl.u32 s25, $0x3  }
0x18: {  	s26 =	sadd.s32 s3, s24;
	s3 =	sadd.s32 s3, s5;
	s25 =	sadd.s32 s12, s13  }
0x19: {  	s24 =	sadd.s32 s24, s13;
	s6 =	sadd.s32 s7, s6;
	s15 =	sshrl.u32 s26, $0x3  }
0x1a: {  	s3 =	sshrl.u32 s3, $0x3;
	[dreg:$0xa] =	wrdreg s6;
	s6 =	sadd.s32 s7, s15  }
0x1b: {  	s12 =	simm.s32 $0x0;
	s3 =	sadd.s32 s7, s3;
	[dreg:$0xb] =	wrdreg s6  }
0x1c: {  	s26 =	sadd.s32 s11, s13;
	s15 =	sadd.s32 s19, s13;
	[dreg:$0xc] =	wrdreg s3  }
0x1d: {  	s7 =	simm.s32 $0x2;
	_ =	strace $0x8000004A;
	[dreg:$0xd] =	wrdreg s20  }
0x1e: {  	s29 =	sadd.s32 $0x2000, s15;
	s30 =	sadd.s32 $0x4000, s15;
	[dreg:$0xe] =	wrdreg s21  }
0x1f: {  	s31 =	sadd.s32 $0x6000, s15;
	s11 =	sadd.s32 $0x8000, s15;
	[dreg:$0xf] =	wrdreg s22  }
0x20: {  	s2 =	sadd.s32 $0xC000, s15;
	s3 =	sadd.s32 $0xE000, s15;
	[dreg:$0x10] =	wrdreg s25  }
0x21: {  	s4 =	sadd.s32 $0x10000, s15;
	s6 =	simm.s32 $0x4100;
	[dreg:$0x11] =	wrdreg s26  }
0x22: {  	s21 =	sadd.s32 s16, s13;
	s22 =	sadd.s32 s17, s13;
	s25 =	sadd.s32 s5, s13  }
0x23: {  	v0 =	vimm.f32 $0.0e+00;
	s26 =	sadd.s32 $0x5200, s0;
	s0 =	sadd.s32 $0xA000, s15;
	s5 =	sadd.s32 $0x12000, s15  }
.LBB2_1:
0x24: {  	s16 =	simm.s32 $0x0;
	s17 =	simm.s32 $0x200  }
.LBB2_2:
0x25: {  	p0 =	sne.s32 s17, $0x7E00;
	[tilespmem:s16+$0x4170] =	vst v0  }
0x26: {  	[tilespmem:s16+$0x4100] =	vst v0  }
0x27: {  	[tilespmem:s16+$0x4110] =	vst v0  }
.Ltmp0:
0x28: {  	[tilespmem:s16+$0x4120] =	vst v0;
	(pc) =	sbr.rel @p0 .LBB2_2-.Ltmp0, $4  }
0x29: {  	[tilespmem:s16+$0x4130] =	vst v0  }
0x2a: {  	[tilespmem:s16+$0x4140] =	vst v0  }
0x2b: {  	[tilespmem:s16+$0x4150] =	vst v0  }
0x2c: {  	[tilespmem:s16+$0x4160] =	vst v0;
	s16 =	sshra.s32 s17, $0x2;
	s17 =	sadd.s32 $0x200, s17  }
0x2d: {  	[tilespmem:s16+$0x4170] =	vst v0  }
0x2e: {  	[tilespmem:s16+$0x4100] =	vst v0  }
0x2f: {  	[tilespmem:s16+$0x4110] =	vst v0  }
0x30: {  	[tilespmem:s16+$0x4120] =	vst v0  }
0x31: {  	[tilespmem:s16+$0x4130] =	vst v0  }
0x32: {  	[tilespmem:s16+$0x4140] =	vst v0  }
0x33: {  	[tilespmem:s16+$0x4150] =	vst v0  }
0x34: {  	[tilespmem:s16+$0x4160] =	vst v0  }
0x35: {  	[spmem:s15] =	stream.linear.scatter [tilespmem:s6], [sflag:$0x2], $0x2000, $0x38;
	[tilespmem:$0x1A100] =	vst v63  }
0x36: {  	_ =	swait.ge [sflag:s7], $0x2000  }
0x37: {  	[sflag:s7] =	ssyncset.done $0x0  }
0x38: {  	[sflag:s7] =	ssyncadd.s32 $0xFFFFE000  }
0x39: {  	[spmem:s29] =	stream.linear.scatter [tilespmem:s6], [sflag:$0x2], $0x2000, $0x38;
	[tilespmem:$0x1A100] =	vst v63  }
0x3a: {  	_ =	swait.ge [sflag:s7], $0x2000  }
0x3b: {  	[sflag:s7] =	ssyncset.done $0x0  }
0x3c: {  	[sflag:s7] =	ssyncadd.s32 $0xFFFFE000  }
0x3d: {  	[spmem:s30] =	stream.linear.scatter [tilespmem:s6], [sflag:$0x2], $0x2000, $0x38;
	[tilespmem:$0x1A100] =	vst v63  }
0x3e: {  	_ =	swait.ge [sflag:s7], $0x2000  }
0x3f: {  	[sflag:s7] =	ssyncset.done $0x0  }
0x40: {  	[sflag:s7] =	ssyncadd.s32 $0xFFFFE000  }
0x41: {  	[spmem:s31] =	stream.linear.scatter [tilespmem:s6], [sflag:$0x2], $0x2000, $0x38;
	[tilespmem:$0x1A100] =	vst v63  }
0x42: {  	_ =	swait.ge [sflag:s7], $0x2000  }
0x43: {  	[sflag:s7] =	ssyncset.done $0x0  }
0x44: {  	[sflag:s7] =	ssyncadd.s32 $0xFFFFE000  }
0x45: {  	[spmem:s11] =	stream.linear.scatter [tilespmem:s6], [sflag:$0x2], $0x2000, $0x38;
	[tilespmem:$0x1A100] =	vst v63  }
0x46: {  	_ =	swait.ge [sflag:s7], $0x2000  }
0x47: {  	[sflag:s7] =	ssyncset.done $0x0  }
0x48: {  	[sflag:s7] =	ssyncadd.s32 $0xFFFFE000  }
0x49: {  	[spmem:s0] =	stream.linear.scatter [tilespmem:s6], [sflag:$0x2], $0x2000, $0x38;
	[tilespmem:$0x1A100] =	vst v63  }
0x4a: {  	_ =	swait.ge [sflag:s7], $0x2000  }
0x4b: {  	[sflag:s7] =	ssyncset.done $0x0  }
0x4c: {  	[sflag:s7] =	ssyncadd.s32 $0xFFFFE000  }
0x4d: {  	[spmem:s2] =	stream.linear.scatter [tilespmem:s6], [sflag:$0x2], $0x2000, $0x38;
	[tilespmem:$0x1A100] =	vst v63  }
0x4e: {  	_ =	swait.ge [sflag:s7], $0x2000  }
0x4f: {  	[sflag:s7] =	ssyncset.done $0x0  }
0x50: {  	[sflag:s7] =	ssyncadd.s32 $0xFFFFE000  }
0x51: {  	[spmem:s3] =	stream.linear.scatter [tilespmem:s6], [sflag:$0x2], $0x2000, $0x38;
	[tilespmem:$0x1A100] =	vst v63  }
0x52: {  	_ =	swait.ge [sflag:s7], $0x2000  }
0x53: {  	[sflag:s7] =	ssyncset.done $0x0  }
0x54: {  	[sflag:s7] =	ssyncadd.s32 $0xFFFFE000  }
0x55: {  	[spmem:s4] =	stream.linear.scatter [tilespmem:s6], [sflag:$0x2], $0x2000, $0x38;
	[tilespmem:$0x1A100] =	vst v63  }
0x56: {  	_ =	swait.ge [sflag:s7], $0x2000  }
0x57: {  	[sflag:s7] =	ssyncset.done $0x0  }
0x58: {  	[sflag:s7] =	ssyncadd.s32 $0xFFFFE000  }
0x59: {  	[spmem:s5] =	stream.linear.scatter [tilespmem:s6], [sflag:$0x2], $0x2000, $0x38;
	[tilespmem:$0x1A100] =	vst v63  }
0x5a: {  	_ =	swait.ge [sflag:s7], $0x2000  }
0x5b: {  	[sflag:s7] =	ssyncset.done $0x0  }
0x5c: {  	[sflag:s7] =	ssyncadd.s32 $0xFFFFE000  }
0x5d: {  	s19 =	sadd.s32 $0x0, s28;
	[bflag:$0x0] =	sbarrier.arrive $0xFFFF  }
0x5e: {  	[tilespmem:s1], [sflag:$0x2] =	stream.linear.gather [hbm4b:s19+s1], $0x80, $0x38;
	[tilespmem:$0x1A100] =	vst v63  }
0x5f: {  	_ =	swait.ge [sflag:s7], $0x80  }
0x60: {  	[sflag:s7] =	ssyncset.done $0x0  }
0x61: {  	s20 =	sadd.s32 $0x0, s26;
	[sflag:s7] =	ssyncadd.s32 $0xFFFFFF80  }
0x62: {  	[tilespmem:s8], [sflag:$0x2] =	stream.linear.gather [hbm4b:s20+s1], $0x80, $0x38;
	[tilespmem:$0x1A100] =	vst v63  }
0x63: {  	_ =	swait.ge [sflag:s7], $0x80  }
0x64: {  	[sflag:s7] =	ssyncset.done $0x0  }
0x65: {  	[sflag:s7] =	ssyncadd.s32 $0xFFFFFF80  }
0x66: {  	[tilespmem:s9], [sflag:$0x1] =	stream.indirect.gather [hbm4b:s14+s8], $0x80, s1, s8, $0xb8;
	[tilespmem:$0x1A100] =	vst v63  }
0x67: {  	_ =	swait.ge [sflag:s10], $0x4000  }
0x68: {  	[sflag:s10] =	ssyncset.done $0x0  }
0x69: {  	[sflag:s10] =	ssyncadd.s32 $0xFFFFC000  }
0x6a: {  	[spmem:s13] =	stream.indirect.scatter.add.f32 [tilespmem:s9], [sflag:$0x2], $0x80, s8, s8, $0xb8;
	[tilespmem:$0x1A100] =	vst v63  }
0x6b: {  	_ =	swait.ge [sflag:s7], $0x4000  }
0x6c: {  	s16 =	simm.s32 $0x10;
	s17 =	simm.s32 $0x20;
	[sflag:s7] =	ssyncset.done $0x0  }
.LBB2_4:
0x6d: {  	s18 =	sadd.s32 s16, s28  }
0x6e: {  	[sflag:s7] =	ssyncadd.s32 $0xFFFFC000;
	s19 =	smov.u32 s17;
	s20 =	sadd.s32 $0x10, s17  }
0x6f: {  	[tilespmem:s1], [sflag:$0x2] =	stream.linear.gather [hbm4b:s18+s1], $0x80, $0x38;
	[tilespmem:$0x1A100] =	vst v63  }
0x70: {  	p0 =	sne.s32 s17, $0x4E0;
	_ =	swait.ge [sflag:s7], $0x80  }
0x71: {  	[sflag:s7] =	ssyncset.done $0x0  }
0x72: {  	s17 =	sadd.s32 s16, s26;
	s16 =	smov.u32 s19;
	[sflag:s7] =	ssyncadd.s32 $0xFFFFFF80  }
0x73: {  	[tilespmem:s8], [sflag:$0x2] =	stream.linear.gather [hbm4b:s17+s1], $0x80, $0x38;
	[tilespmem:$0x1A100] =	vst v63  }
0x74: {  	_ =	swait.ge [sflag:s7], $0x80  }
0x75: {  	[sflag:s7] =	ssyncset.done $0x0  }
0x76: {  	[sflag:s7] =	ssyncadd.s32 $0xFFFFFF80  }
0x77: {  	[tilespmem:s9], [sflag:$0x1] =	stream.indirect.gather [hbm4b:s14+s8], $0x80, s1, s8, $0xb8;
	[tilespmem:$0x1A100] =	vst v63  }
0x78: {  	_ =	swait.ge [sflag:s10], $0x4000  }
.Ltmp1:
0x79: {  	[sflag:s10] =	ssyncset.done $0x0;
	(pc) =	sbr.rel @p0 .LBB2_4-.Ltmp1, $4  }
0x7a: {  	[sflag:s10] =	ssyncadd.s32 $0xFFFFC000  }
0x7b: {  	[spmem:s13] =	stream.indirect.scatter.add.f32 [tilespmem:s9], [sflag:$0x2], $0x80, s8, s8, $0xb8;
	[tilespmem:$0x1A100] =	vst v63  }
0x7c: {  	_ =	swait.ge [sflag:s7], $0x4000  }
0x7d: {  	s17 =	smov.u32 s20;
	[sflag:s7] =	ssyncset.done $0x0  }
0x7e: {  	s17 =	sadd.s32 s16, s28;
	[sflag:s7] =	ssyncadd.s32 $0xFFFFC000  }
0x7f: {  	[tilespmem:s1], [sflag:$0x2] =	stream.linear.gather [hbm4b:s17+s1], $0x80, $0x38;
	[tilespmem:$0x1A100] =	vst v63  }
0x80: {  	_ =	swait.ge [sflag:s7], $0x80  }
0x81: {  	[sflag:s7] =	ssyncset.done $0x0  }
0x82: {  	s17 =	sadd.s32 s16, s26;
	[sflag:s7] =	ssyncadd.s32 $0xFFFFFF80  }
0x83: {  	[tilespmem:s8], [sflag:$0x2] =	stream.linear.gather [hbm4b:s17+s1], $0x80, $0x38;
	[tilespmem:$0x1A100] =	vst v63  }
0x84: {  	_ =	swait.ge [sflag:s7], $0x80  }
0x85: {  	[sflag:s7] =	ssyncset.done $0x0  }
0x86: {  	[sflag:s7] =	ssyncadd.s32 $0xFFFFFF80  }
0x87: {  	[tilespmem:s9], [sflag:$0x1] =	stream.indirect.gather [hbm4b:s14+s8], $0x80, s1, s8, $0xb8;
	[tilespmem:$0x1A100] =	vst v63  }
0x88: {  	_ =	swait.ge [sflag:s10], $0x4000  }
0x89: {  	[sflag:s10] =	ssyncset.done $0x0  }
0x8a: {  	[sflag:s10] =	ssyncadd.s32 $0xFFFFC000  }
0x8b: {  	[spmem:s13] =	stream.indirect.scatter.add.f32 [tilespmem:s9], [sflag:$0x2], $0x80, s8, s8, $0xb8;
	[tilespmem:$0x1A100] =	vst v63  }
0x8c: {  	_ =	swait.ge [sflag:s7], $0x4000  }
0x8d: {  	[sflag:s7] =	ssyncset.done $0x0  }
0x8e: {  	[sflag:s7] =	ssyncadd.s32 $0xFFFFC000  }
0x8f: {  	[bflag:$0x0] =	sbarrier.arrive $0xFFFF  }
0x90: {  	[tilespmem:s9], [sflag:$0x2] =	stream.linear.gather [spmem:s15], $0x2000, $0x38;
	[tilespmem:$0x1A100] =	vst v63  }
0x91: {  	_ =	swait.ge [sflag:s7], $0x2000  }
0x92: {  	[sflag:s7] =	ssyncset.done $0x0  }
0x93: {  	s18 =	rddreg [dreg:$0x3];
	[sflag:s7] =	ssyncadd.s32 $0xFFFFE000  }
0x94: {  	[hbm4b:s18+s1] =	stream.linear.scatter [tilespmem:s9], [sflag:$0x2], $0x2000, $0x38;
	[tilespmem:$0x1A100] =	vst v63  }
0x95: {  	_ =	swait.ge [sflag:s7], $0x2000  }
0x96: {  	[sflag:s7] =	ssyncset.done $0x0  }
0x97: {  	s19 =	rddreg [dreg:$0xe];
	[sflag:s7] =	ssyncadd.s32 $0xFFFFE000  }
0x98: {  	[tilespmem:s9], [sflag:$0x2] =	stream.linear.gather [spmem:s19], $0x2000, $0x38;
	[tilespmem:$0x1A100] =	vst v63  }
0x99: {  	_ =	swait.ge [sflag:s7], $0x2000  }
0x9a: {  	[sflag:s7] =	ssyncset.done $0x0  }
0x9b: {  	s20 =	rddreg [dreg:$0x4];
	[sflag:s7] =	ssyncadd.s32 $0xFFFFE000  }
0x9c: {  	[hbm4b:s20+s1] =	stream.linear.scatter [tilespmem:s9], [sflag:$0x2], $0x2000, $0x38;
	[tilespmem:$0x1A100] =	vst v63  }
0x9d: {  	_ =	swait.ge [sflag:s7], $0x2000  }
0x9e: {  	[sflag:s7] =	ssyncset.done $0x0  }
0x9f: {  	s17 =	rddreg [dreg:$0xf];
	[sflag:s7] =	ssyncadd.s32 $0xFFFFE000  }
0xa0: {  	[tilespmem:s9], [sflag:$0x2] =	stream.linear.gather [spmem:s17], $0x2000, $0x38;
	[tilespmem:$0x1A100] =	vst v63  }
0xa1: {  	_ =	swait.ge [sflag:s7], $0x2000  }
0xa2: {  	[sflag:s7] =	ssyncset.done $0x0  }
0xa3: {  	s18 =	rddreg [dreg:$0x5];
	[sflag:s7] =	ssyncadd.s32 $0xFFFFE000  }
0xa4: {  	[hbm4b:s18+s1] =	stream.linear.scatter [tilespmem:s9], [sflag:$0x2], $0x2000, $0x38;
	[tilespmem:$0x1A100] =	vst v63  }
0xa5: {  	_ =	swait.ge [sflag:s7], $0x2000  }
0xa6: {  	[sflag:s7] =	ssyncset.done $0x0  }
0xa7: {  	s19 =	rddreg [dreg:$0x10];
	[sflag:s7] =	ssyncadd.s32 $0xFFFFE000  }
0xa8: {  	[tilespmem:s9], [sflag:$0x2] =	stream.linear.gather [spmem:s19], $0x2000, $0x38;
	[tilespmem:$0x1A100] =	vst v63  }
0xa9: {  	_ =	swait.ge [sflag:s7], $0x2000  }
0xaa: {  	[sflag:s7] =	ssyncset.done $0x0  }
0xab: {  	s20 =	rddreg [dreg:$0x6];
	[sflag:s7] =	ssyncadd.s32 $0xFFFFE000  }
0xac: {  	[hbm4b:s20+s1] =	stream.linear.scatter [tilespmem:s9], [sflag:$0x2], $0x2000, $0x38;
	[tilespmem:$0x1A100] =	vst v63  }
0xad: {  	_ =	swait.ge [sflag:s7], $0x2000  }
0xae: {  	[sflag:s7] =	ssyncset.done $0x0  }
0xaf: {  	s17 =	rddreg [dreg:$0x11];
	[sflag:s7] =	ssyncadd.s32 $0xFFFFE000  }
0xb0: {  	[tilespmem:s9], [sflag:$0x2] =	stream.linear.gather [spmem:s17], $0x2000, $0x38;
	[tilespmem:$0x1A100] =	vst v63  }
0xb1: {  	_ =	swait.ge [sflag:s7], $0x2000  }
0xb2: {  	[sflag:s7] =	ssyncset.done $0x0  }
0xb3: {  	s18 =	rddreg [dreg:$0x7];
	[sflag:s7] =	ssyncadd.s32 $0xFFFFE000  }
0xb4: {  	[hbm4b:s18+s1] =	stream.linear.scatter [tilespmem:s9], [sflag:$0x2], $0x2000, $0x38;
	[tilespmem:$0x1A100] =	vst v63  }
0xb5: {  	_ =	swait.ge [sflag:s7], $0x2000  }
0xb6: {  	[sflag:s7] =	ssyncset.done $0x0  }
0xb7: {  	[sflag:s7] =	ssyncadd.s32 $0xFFFFE000  }
0xb8: {  	[tilespmem:s9], [sflag:$0x2] =	stream.linear.gather [spmem:s21], $0x2000, $0x38;
	[tilespmem:$0x1A100] =	vst v63  }
0xb9: {  	_ =	swait.ge [sflag:s7], $0x2000  }
0xba: {  	[sflag:s7] =	ssyncset.done $0x0  }
0xbb: {  	s19 =	rddreg [dreg:$0x8];
	[sflag:s7] =	ssyncadd.s32 $0xFFFFE000  }
0xbc: {  	[hbm4b:s19+s1] =	stream.linear.scatter [tilespmem:s9], [sflag:$0x2], $0x2000, $0x38;
	[tilespmem:$0x1A100] =	vst v63  }
0xbd: {  	_ =	swait.ge [sflag:s7], $0x2000  }
0xbe: {  	[sflag:s7] =	ssyncset.done $0x0  }
0xbf: {  	[sflag:s7] =	ssyncadd.s32 $0xFFFFE000  }
0xc0: {  	[tilespmem:s9], [sflag:$0x2] =	stream.linear.gather [spmem:s22], $0x2000, $0x38;
	[tilespmem:$0x1A100] =	vst v63  }
0xc1: {  	_ =	swait.ge [sflag:s7], $0x2000  }
0xc2: {  	[sflag:s7] =	ssyncset.done $0x0  }
0xc3: {  	s20 =	rddreg [dreg:$0x9];
	[sflag:s7] =	ssyncadd.s32 $0xFFFFE000  }
0xc4: {  	[hbm4b:s20+s1] =	stream.linear.scatter [tilespmem:s9], [sflag:$0x2], $0x2000, $0x38;
	[tilespmem:$0x1A100] =	vst v63  }
0xc5: {  	_ =	swait.ge [sflag:s7], $0x2000  }
0xc6: {  	[sflag:s7] =	ssyncset.done $0x0  }
0xc7: {  	[sflag:s7] =	ssyncadd.s32 $0xFFFFE000  }
0xc8: {  	[tilespmem:s9], [sflag:$0x2] =	stream.linear.gather [spmem:s23], $0x2000, $0x38;
	[tilespmem:$0x1A100] =	vst v63  }
0xc9: {  	_ =	swait.ge [sflag:s7], $0x2000  }
0xca: {  	[sflag:s7] =	ssyncset.done $0x0  }
0xcb: {  	s17 =	rddreg [dreg:$0xa];
	[sflag:s7] =	ssyncadd.s32 $0xFFFFE000  }
0xcc: {  	[hbm4b:s17+s1] =	stream.linear.scatter [tilespmem:s9], [sflag:$0x2], $0x2000, $0x38;
	[tilespmem:$0x1A100] =	vst v63  }
0xcd: {  	_ =	swait.ge [sflag:s7], $0x2000  }
0xce: {  	[sflag:s7] =	ssyncset.done $0x0  }
0xcf: {  	[sflag:s7] =	ssyncadd.s32 $0xFFFFE000  }
0xd0: {  	[tilespmem:s9], [sflag:$0x2] =	stream.linear.gather [spmem:s24], $0x2000, $0x38;
	[tilespmem:$0x1A100] =	vst v63  }
0xd1: {  	_ =	swait.ge [sflag:s7], $0x2000  }
0xd2: {  	[sflag:s7] =	ssyncset.done $0x0  }
0xd3: {  	s18 =	rddreg [dreg:$0xb];
	[sflag:s7] =	ssyncadd.s32 $0xFFFFE000  }
0xd4: {  	[hbm4b:s18+s1] =	stream.linear.scatter [tilespmem:s9], [sflag:$0x2], $0x2000, $0x38;
	[tilespmem:$0x1A100] =	vst v63  }
0xd5: {  	_ =	swait.ge [sflag:s7], $0x2000  }
0xd6: {  	[sflag:s7] =	ssyncset.done $0x0  }
0xd7: {  	[sflag:s7] =	ssyncadd.s32 $0xFFFFE000  }
0xd8: {  	[tilespmem:s9], [sflag:$0x2] =	stream.linear.gather [spmem:s25], $0x2000, $0x38;
	[tilespmem:$0x1A100] =	vst v63  }
0xd9: {  	_ =	swait.ge [sflag:s7], $0x2000  }
0xda: {  	[sflag:s7] =	ssyncset.done $0x0  }
0xdb: {  	s19 =	rddreg [dreg:$0xc];
	[sflag:s7] =	ssyncadd.s32 $0xFFFFE000  }
0xdc: {  	[hbm4b:s19+s1] =	stream.linear.scatter [tilespmem:s9], [sflag:$0x2], $0x2000, $0x38;
	[tilespmem:$0x1A100] =	vst v63  }
0xdd: {  	_ =	swait.ge [sflag:s7], $0x2000  }
0xde: {  	s12 =	sadd.s32 $0x1, s12;
	s20 =	rddreg [dreg:$0xd]  }
0xdf: {  	p0 =	sne.s32 s12, s20  }
.Ltmp2:
0xe0: {  	_ = 	snop;
	(pc) =	sbr.rel @p0 .LBB2_1-.Ltmp2, $3  }
0xe1: {  	_ =	sdelay $0x1  }
0xe2: {  	[sflag:s7] =	ssyncset.done $0x0  }
0xe3: {  	[sflag:s7] =	ssyncadd.s32 $0xFFFFE000  }
0xe4: {  	_ =	sfence.sel $0x180000  }
0xe5: {  	[bflag:$0x0] =	sbarrier.arrive $0xFFFF  }
0xe6: {  	_ =	strace $0x9000004A  }
0xe7: {  	s0 =	stileid.u32;
	[bflag:$0x2] =	sbarrier.arrive $0xFFFF  }
0xe8: {  	p0 =	sne.s32 s0, $0x0;
	s0 =	rddreg [dreg:$0x2]  }
0xe9: {  	s0 =	sadd.s32 @!p0 $0x100000, s0  }
0xea: {  	[sflag:s0] =	ssyncadd.tile.s32 @!p0 $0x1;
	_ =	shalt  }
.Lfunc_end2:
_tile_overlayer_lowered:
.L_overlay_start_2:
0xeb: {  	(tag) =	ssettag $0x2  }
0xec: {  	s0 =	rddreg [dreg:$0x0];
	s2 =	stileid.u32  }
0xed: {  	s1 =	rddreg [dreg:$0x1];
	p0 =	sne.s32 s2, $0x0  }
0xee: {  	s3 =	rddreg [dreg:$0x2];
	[bflag:$0x3] =	sbarrier.arrive $0xFFFF;
	s2 =	simm.s32 @!p0 $0x1C02  }
0xef: {  	[timem:s3], [sflag:s2] =	dma.local @!p0 [hbm:s0], s1  }
0xf0: {  	s0 =	simm.s32 @!p0 $0x2  }
0xf1: {  	_ =	swait.ge @!p0 [sflag:s0], s1  }
0xf2: {  	s1 =	ssub.s32 @!p0 $0x0, s1;
	[sflag:s0] =	ssyncset.done @!p0 $0x0  }
0xf3: {  	[sflag:s0] =	ssyncadd.s32 @!p0 s1  }
0xf4: {  	[bflag:$0x3] =	sbarrier.arrive $0xFFFF  }
0xf5: {  	_ =	shalt  }

// kernel: kernel.16.cloned.1.call-start
scs
__scs_entry_jumppad:
0x0: {  	(pc) =	sbr.rel $0x88, $3  }
0x1: {  	(tag) =	ssettag $0x0;
	lr =	simm.s32 $0x1  }
0x2: {  	[smem:$0x3F87] =	sst lr;
	_ =	strace $0xD0000000  }
0x3: {  	_ = 	snop  }
0x4: {  	_ = 	snop  }
0x5: {  	_ = 	snop  }
0x6: {  	_ = 	snop  }
0x7: {  	_ = 	snop  }
__scs_overlays_trampoline_lowered:
0x8: {  	[smem:$0x3F96] =	sst s0  }
0x9: {  	[smem:$0x3F97] =	sst s1  }
0xa: {  	[smem:$0x3F98] =	sst s2  }
0xb: {  	[smem:$0x3F99] =	sst s3  }
0xc: {  	[smem:$0x3F9A] =	sst s4  }
0xd: {  	[smem:$0x3F9B] =	sst s5  }
0xe: {  	[smem:$0x3F9C] =	sst s6  }
0xf: {  	[smem:$0x3F9D] =	sst s7  }
0x10: {  	[smem:$0x3F9E] =	sst s8  }
0x11: {  	[smem:$0x3F9F] =	sst s9;
	s0 =	simm.s32 @!p0 $0x0  }
0x12: {  	s1 =	sld [smem:$0x3F85];
	s0 =	simm.s32 @p0 $0x1  }
0x13: {  	[smem:$0x3FA0] =	sst s0;
	s0 =	simm.s32 @!p1 $0x0  }
0x14: {  	s2 =	sld [smem:$0x3F84];
	s0 =	simm.s32 @p1 $0x1  }
0x15: {  	[smem:$0x3FA1] =	sst s0;
	s0 =	simm.s32 @!p2 $0x0  }
0x16: {  	s3 =	sld [smem:$0x3FDB];
	s0 =	simm.s32 @p2 $0x1  }
0x17: {  	s4 =	simm.s32 $0x1BF5;
	[smem:$0x3FA3] =	sst s0  }
0x18: {  	s0 =	sld [smem:$0x3F86];
	_ =	swait.ge [sflag:s4], $0x0  }
0x19: {  	s7 =	sld [smem:$0x3F87]  }
0x1a: {  	s8 =	sadd.s32 $0xFFFFE003, lr  }
0x1b: {  	s9 =	sadd.s32 $0xFFFFFEF7, lr;
	s5 =	simm.s32 $0xFFFFFFFF;
	p2 =	slt.u32 s8, $0xFFFFF086  }
0x1c: {  	p1 =	slt.u32 s9, $0xF7A;
	s5 =	simm.s32 @!p2 $0x0  }
0x1d: {  	s5 =	simm.s32 @p1 $0x1;
	p0 =	seq.s32 s7, s2  }
0x1e: {  	s7 =	smul.u32 @!p0 $0xF7A, s2;
	p2 =	seq.s32 @!p0 s5, $0x0  }
0x1f: {  	s9 =	smul.u32 $0xF7A, s1;
	s8 =	simm.s32 @!p0 $0x1BF5;
	p2 =	por !p2, p0  }
0x20: {  	[sflag:s8] =	ssyncset.s32 @!p0 $0xFFFFF086;
	s6 =	sadd.s32 @!p0 s3, s7;
	s7 =	simm.s32 @!p0 $0x108  }
0x21: {  	s3 =	sadd.s32 s3, s9;
	s6 =	sadd.s32 @!p0 $0x88, s6;
	s7 =	simm.s32 @p2 $0x1082  }
0x22: {  	[simem:s7], [sflag:s8] =	dma.local @!p0 [hbm:s6], $0xF7A  }
0x23: {  	s9 =	sor.u32 $0xD0000000, s2;
	s6 =	simm.s32 $0x108;
	_ =	swait.ge @!p0 [sflag:s8], $0x0  }
0x24: {  	s3 =	sadd.s32 $0x88, s3;
	s6 =	simm.s32 @!p1 $0x1082;
	[sflag:s4] =	ssyncset.s32 $0xFFFFF086  }
0x25: {  	[simem:s6], [sflag:s4] =	dma.local [hbm:s3], $0xF7A  }
0x26: {  	[smem:$0x3F87] =	sst s1;
	(tag) =	ssettag s2;
	_ =	strace s9  }
0x27: {  	s1 =	sld [smem:$0x3F97]  }
0x28: {  	s2 =	sld [smem:$0x3F98]  }
0x29: {  	s4 =	sld [smem:$0x3F9A]  }
0x2a: {  	p0 =	seq.s32 s5, $0x0;
	s5 =	sld [smem:$0x3F9B]  }
0x2b: {  	s6 =	sld [smem:$0x3F9C]  }
0x2c: {  	s7 =	sld [smem:$0x3F9D]  }
0x2d: {  	s3 =	simm.s32 $0x108;
	s8 =	sld [smem:$0x3F9E]  }
0x2e: {  	s3 =	simm.s32 @!p0 $0x1082;
	s9 =	sld [smem:$0x3F9F]  }
0x2f: {  	lr =	sadd.s32 s0, s3;
	s0 =	sld [smem:$0x3F96]  }
0x30: {  	s3 =	sld [smem:$0x3F99]  }
0x31: {  	[smem:$0x3FA2] =	sst s10  }
0x32: {  	s10 =	sld [smem:$0x3FA0];
	_ =	sdelay $0x3  }
0x33: {  	p0 =	seq.s32 s10, $0x1;
	s10 =	sld [smem:$0x3FA2];
	_ =	sdelay $0x3  }
0x34: {  	[smem:$0x3FA2] =	sst s10  }
0x35: {  	s10 =	sld [smem:$0x3FA1];
	_ =	sdelay $0x3  }
0x36: {  	p1 =	seq.s32 s10, $0x1;
	s10 =	sld [smem:$0x3FA2];
	_ =	sdelay $0x3  }
0x37: {  	[smem:$0x3FA2] =	sst s10  }
0x38: {  	s10 =	sld [smem:$0x3FA3]  }
0x39: {  	_ = 	snop;
	(pc) =	sbr.ind lr, $3  }
0x3a: {  	_ = 	snop  }
0x3b: {  	_ = 	snop  }
0x3c: {  	p2 =	seq.s32 s10, $0x1;
	s10 =	sld [smem:$0x3FA2]  }
0x3d: {  	_ =	shalt  }
0x3e: {  	_ =	shalt  }
0x3f: {  	_ =	shalt  }
0x40: {  	_ =	shalt  }
0x41: {  	_ =	shalt  }
0x42: {  	_ =	shalt  }
0x43: {  	_ =	shalt  }
0x44: {  	_ =	shalt  }
0x45: {  	_ =	shalt  }
0x46: {  	_ =	shalt  }
0x47: {  	_ =	shalt  }
0x48: {  	_ =	shalt  }
0x49: {  	_ =	shalt  }
0x4a: {  	_ =	shalt  }
0x4b: {  	_ =	shalt  }
0x4c: {  	_ =	shalt  }
0x4d: {  	_ =	shalt  }
0x4e: {  	_ =	shalt  }
0x4f: {  	_ =	shalt  }
0x50: {  	_ =	shalt  }
0x51: {  	_ =	shalt  }
0x52: {  	_ =	shalt  }
0x53: {  	_ =	shalt  }
0x54: {  	_ =	shalt  }
0x55: {  	_ =	shalt  }
0x56: {  	_ =	shalt  }
0x57: {  	_ =	shalt  }
0x58: {  	_ =	shalt  }
0x59: {  	_ =	shalt  }
0x5a: {  	_ =	shalt  }
0x5b: {  	_ =	shalt  }
0x5c: {  	_ =	shalt  }
0x5d: {  	_ =	shalt  }
0x5e: {  	_ =	shalt  }
0x5f: {  	_ =	shalt  }
0x60: {  	_ =	shalt  }
0x61: {  	_ =	shalt  }
0x62: {  	_ =	shalt  }
0x63: {  	_ =	shalt  }
0x64: {  	_ =	shalt  }
0x65: {  	_ =	shalt  }
0x66: {  	_ =	shalt  }
0x67: {  	_ =	shalt  }
0x68: {  	_ =	shalt  }
0x69: {  	_ =	shalt  }
0x6a: {  	_ =	shalt  }
0x6b: {  	_ =	shalt  }
0x6c: {  	_ =	shalt  }
0x6d: {  	_ =	shalt  }
0x6e: {  	_ =	shalt  }
0x6f: {  	_ =	shalt  }
0x70: {  	_ =	shalt  }
0x71: {  	_ =	shalt  }
0x72: {  	_ =	shalt  }
0x73: {  	_ =	shalt  }
0x74: {  	_ =	shalt  }
0x75: {  	_ =	shalt  }
0x76: {  	_ =	shalt  }
0x77: {  	_ =	shalt  }
0x78: {  	_ =	shalt  }
0x79: {  	_ =	shalt  }
0x7a: {  	_ =	shalt  }
0x7b: {  	_ =	shalt  }
0x7c: {  	_ =	shalt  }
0x7d: {  	_ =	shalt  }
0x7e: {  	_ =	shalt  }
0x7f: {  	_ =	shalt  }
0x80: {  	_ =	shalt  }
0x81: {  	_ =	shalt  }
0x82: {  	_ =	shalt  }
0x83: {  	_ =	shalt  }
0x84: {  	_ =	shalt  }
0x85: {  	_ =	shalt  }
0x86: {  	_ =	shalt  }
0x87: {  	_ =	shalt  }
.Lfunc_end0:
.L_simem_size_0:
called_computation.2_lowered:
.L_overlay_start_0:
0x88: {  	s2 =	sld [smem:$0x3FD9]  }
0x89: {  	s3 =	sld [smem:$0x3FFE];
	_ =	sdelay $0x1  }
0x8a: {  	s1 =	srdreg.scid  }
0x8b: {  	s0 =	sand.u32 $0x1, s1  }
0x8c: {  	s16 =	sshll.u32 s0, $0xA;
	s2 =	sadd.s32 s3, s2  }
0x8d: {  	s2 =	sadd.s32 s2, s16  }
0x8e: {  	[smem:$0x3FAE] =	sst s2  }
0x8f: {  	_ = 	snop  }
0x90: {  	(tm) =	ssettm $0x1  }
0x91: {  	s17 =	sld [smem:$0x3FFB];
	_ =	sdelay $0x3  }
0x92: {  	_ =	strace s17  }
0x93: {  	s2 =	sld [smem:$0x3FFC];
	_ =	sdelay $0x3  }
0x94: {  	_ =	strace s2  }
0x95: {  	s2 =	sld [smem:$0x3FFD];
	_ =	sdelay $0x3  }
0x96: {  	_ =	strace s2  }
0x97: {  	_ =	strace $0x8FFFFFFF  }
0x98: {  	s18 =	sld [smem:$0x3FDB];
	_ =	sdelay $0x1  }
0x99: {  	s19 =	simm.s32 $_scs_section_size  }
0x9a: {  	s4 =	simm.s32 $_size__tile_overlayer_lowered;
	s5 =	simm.s32 $_tile_overlayer_lowered  }
0x9b: {  	s22 =	simm.s32 $0x1BFF;
	s21 =	sshll.u32 s5, $0x1;
	s2 =	sadd.s32 s19, s18  }
0x9c: {  	s6 =	simm.s32 $0x0;
	s20 =	sshll.u32 s4, $0x1;
	s4 =	sadd.s32 s21, s2  }
0x9d: {  	[timem:s6], [sflag:s22] =	dma.local [hbm:s4], s20  }
0x9e: {  	_ =	swait.ge [sflag:s22], s20  }
0x9f: {  	s3 =	ssub.s32 $0x0, s20;
	[sflag:s22] =	ssyncset.done $0x0  }
0xa0: {  	[sflag:s22] =	ssyncadd.s32 s3;
	_ =	sdelay $0x1  }
0xa1: {  	s23 =	simm.s32 $0x1B8B  }
0xa2: {  	_ =	swait.ge [sflag:s23], $0x1  }
0xa3: {  	[sflag:s23] =	ssyncset.done $0x0  }
0xa4: {  	s25 =	simm.s32 $0x1B8E;
	s24 =	sld [smem:$0x3FFE];
	[sflag:s23] =	ssyncadd.s32 $0xFFFFFFFF  }
0xa5: {  	s26 =	simm.s32 $execute0_lowered;
	[smem:$0x3FD2] =	sst s25  }
0xa6: {  	s4 =	sshll.u32 s26, $0x1;
	_ =	strace $0x8000004C;
	[dreg:$0x1] =	wrdreg $0xFFFFFFFF  }
0xa7: {  	s28 =	simm.s32 $_size_execute0_lowered;
	s2 =	sadd.s32 s2, s4;
	[dreg:$0x0] =	wrdreg $0x0  }
0xa8: {  	s4 =	sshll.u32 s28, $0x1;
	[dreg:$0x2] =	wrdreg s2  }
0xa9: {  	[dreg:$0x3] =	wrdreg s4  }
0xaa: {  	[dreg:$0x4] =	wrdreg $0xC0  }
0xab: {  	_ =	task [dreg:s6], $0x5FFFF  }
0xac: {  	[dreg:$0x1] =	wrdreg $0xFFFFFFFF  }
0xad: {  	[dreg:$0x0] =	wrdreg $0x60  }
0xae: {  	[dreg:$0x2] =	wrdreg s24  }
0xaf: {  	[dreg:$0x3] =	wrdreg $0x61000  }
0xb0: {  	[dreg:$0x4] =	wrdreg $0x9  }
0xb1: {  	_ =	task.clear_ibuf [dreg:s6], $0x5FFFF;
	_ =	strace $0x9000004C  }
0xb2: {  	s29 =	simm.s32 $0x9;
	_ =	strace $0x8000004E  }
0xb3: {  	_ =	swait.ge [sflag:s29], $0x1  }
0xb4: {  	[sflag:s29] =	ssyncadd.s32 $0xFFFFFFFF  }
0xb5: {  	_ =	strace $0x9000004E  }
0xb6: {  	_ =	sfence  }
0xb7: {  	s30 =	sld [smem:$0x0];
	_ =	sdelay $0x2  }
0xb8: {  	s31 =	sshll.u32 s1, $0xD;
	s1 =	sshrl.u32 s1, $0x2  }
0xb9: {  	s3 =	sand.u32 $0x4000, s31;
	s1 =	sadd.s32 s1, s30  }
0xba: {  	s0 =	sor.u32 s3, s0;
	s1 =	sshll.u32 s1, $0x11  }
0xbb: {  	s0 =	sor.u32 s1, s0  }
0xbc: {  	s0 =	sadd.s32 $0x8F2B, s0  }
0xbd: {  	[sflag:s0] =	ssyncadd.remote.s32 $0x1  }
0xbe: {  	_ =	sfence.sel $0xFFFF  }
0xbf: {  	[dreg:$0x0] =	wrdreg $0xFFFFFFFF;
	(pc) =	sbr.abs _section_cstart, $3  }
0xc0: {  	[dreg:$0x1] =	wrdreg $0xFFFFFFFF  }
0xc1: {  	_ =	task.clear_ibuf [dreg:s6], $0x2FFFF;
	_ =	strace $0x9FFFFFFF  }
0xc2: {  	(tm) =	ssettm $0x7FFFFFFF  }
0xc3: {  	_ =	shalt  }
tec
execute0_lowered:
.L_overlay_start_1:
0x0: {  	(tag) =	ssettag $0x1  }
0x1: {  	s0 =	srdreg.scid;
	s14 =	stileid.u32  }
0x2: {  	s2 =	rddreg [dreg:$0x0];
	s5 =	smul.u32 $0x14000, s14  }
0x3: {  	s1 =	simm.s32 $0x0;
	s0 =	sand.u32 $0x1, s0;
	s8 =	smul.u32 $0x50000, s14  }
0x4: {  	[smem:$0x7FF] =	sst s1;
	s3 =	smul.u32 $0x140000, s0;
	s4 =	ssub.s32 $0x2, s0  }
0x5: {  	s7 =	sadd.s32 $0x40000, s2;
	s0 =	smul.u32 $0x4F00, s0;
	s6 =	sshrl.u32 s4, $0x1  }
0x6: {  	s9 =	sor.u32 $0x2000, s5;
	s10 =	sadd.s32 $0x4000, s5;
	s12 =	sadd.s32 $0x6000, s5  }
0x7: {  	s4 =	ssub.s32 s4, s6;
	s16 =	sadd.s32 s3, s5;
	s17 =	sadd.s32 s3, s9  }
0x8: {  	s11 =	sadd.s32 s3, s10;
	s19 =	sadd.s32 s3, s12;
	s0 =	sadd.s32 s0, s2  }
0x9: {  	s6 =	sshrl.u32 s16, $0x3;
	s18 =	sshrl.u32 s11, $0x3;
	s20 =	sshrl.u32 s19, $0x3  }
0xa: {  	s11 =	sadd.s32 $0x8000, s5;
	s16 =	sadd.s32 $0xA000, s5;
	s19 =	sshrl.u32 s8, $0x2  }
0xb: {  	s8 =	simm.s32 $0x80;
	s6 =	sadd.s32 s7, s6;
	s13 =	sadd.s32 s3, s16  }
0xc: {  	[dreg:$0x3] =	wrdreg s6;
	s6 =	sshrl.u32 s17, $0x3;
	s17 =	sadd.s32 $0xC000, s5  }
0xd: {  	s22 =	sshrl.u32 s13, $0x3;
	s13 =	rddreg [dreg:$0x1];
	s6 =	sadd.s32 s7, s6  }
0xe: {  	s21 =	sadd.s32 s3, s11;
	s23 =	sadd.s32 s3, s17;
	[dreg:$0x4] =	wrdreg s6  }
0xf: {  	s6 =	sadd.s32 s7, s18;
	s24 =	sshrl.u32 s23, $0x3;
	s23 =	sadd.s32 $0xE000, s5  }
0x10: {  	s18 =	smul.u32 $0x4F0, s14;
	s14 =	sadd.s32 $0x18E00, s2;
	[dreg:$0x5] =	wrdreg s6  }
0x11: {  	s6 =	sadd.s32 s7, s20;
	s25 =	sadd.s32 s3, s23;
	s20 =	smax.u32 s4, $0x1  }
0x12: {  	s23 =	sadd.s32 s23, s13;
	[dreg:$0x6] =	wrdreg s6;
	s6 =	sshrl.u32 s21, $0x3  }
0x13: {  	s0 =	sadd.s32 s18, s0;
	s21 =	sadd.s32 s9, s13;
	s6 =	sadd.s32 s7, s6  }
0x14: {  	s9 =	simm.s32 $0x100;
	s28 =	sadd.s32 $0xF000, s0;
	[dreg:$0x7] =	wrdreg s6  }
0x15: {  	s6 =	sadd.s32 s7, s22;
	s22 =	sadd.s32 s10, s13;
	s10 =	simm.s32 $0x1  }
0x16: {  	[dreg:$0x8] =	wrdreg s6;
	s6 =	sadd.s32 s7, s24;
	s24 =	sadd.s32 $0x10000, s5  }
0x17: {  	s5 =	sadd.s32 $0x12000, s5;
	[dreg:$0x9] =	wrdreg s6;
	s6 =	sshrl.u32 s25, $0x3  }
0x18: {  	s26 =	sadd.s32 s3, s24;
	s3 =	sadd.s32 s3, s5;
	s25 =	sadd.s32 s12, s13  }
0x19: {  	s24 =	sadd.s32 s24, s13;
	s6 =	sadd.s32 s7, s6;
	s15 =	sshrl.u32 s26, $0x3  }
0x1a: {  	s3 =	sshrl.u32 s3, $0x3;
	[dreg:$0xa] =	wrdreg s6;
	s6 =	sadd.s32 s7, s15  }
0x1b: {  	s12 =	simm.s32 $0x0;
	s3 =	sadd.s32 s7, s3;
	[dreg:$0xb] =	wrdreg s6  }
0x1c: {  	s26 =	sadd.s32 s11, s13;
	s15 =	sadd.s32 s19, s13;
	[dreg:$0xc] =	wrdreg s3  }
0x1d: {  	s7 =	simm.s32 $0x2;
	_ =	strace $0x8000004D;
	[dreg:$0xd] =	wrdreg s20  }
0x1e: {  	s29 =	sadd.s32 $0x2000, s15;
	s30 =	sadd.s32 $0x4000, s15;
	[dreg:$0xe] =	wrdreg s21  }
0x1f: {  	s31 =	sadd.s32 $0x6000, s15;
	s11 =	sadd.s32 $0x8000, s15;
	[dreg:$0xf] =	wrdreg s22  }
0x20: {  	s2 =	sadd.s32 $0xC000, s15;
	s3 =	sadd.s32 $0xE000, s15;
	[dreg:$0x10] =	wrdreg s25  }
0x21: {  	s4 =	sadd.s32 $0x10000, s15;
	s6 =	simm.s32 $0x4100;
	[dreg:$0x11] =	wrdreg s26  }
0x22: {  	s21 =	sadd.s32 s16, s13;
	s22 =	sadd.s32 s17, s13;
	s25 =	sadd.s32 s5, s13  }
0x23: {  	v0 =	vimm.f32 $0.0e+00;
	s26 =	sadd.s32 $0x5200, s0;
	s0 =	sadd.s32 $0xA000, s15;
	s5 =	sadd.s32 $0x12000, s15  }
.LBB2_1:
0x24: {  	s16 =	simm.s32 $0x0;
	s17 =	simm.s32 $0x200  }
.LBB2_2:
0x25: {  	p0 =	sne.s32 s17, $0x7E00;
	[tilespmem:s16+$0x4170] =	vst v0  }
0x26: {  	[tilespmem:s16+$0x4100] =	vst v0  }
0x27: {  	[tilespmem:s16+$0x4110] =	vst v0  }
.Ltmp0:
0x28: {  	[tilespmem:s16+$0x4120] =	vst v0;
	(pc) =	sbr.rel @p0 .LBB2_2-.Ltmp0, $4  }
0x29: {  	[tilespmem:s16+$0x4130] =	vst v0  }
0x2a: {  	[tilespmem:s16+$0x4140] =	vst v0  }
0x2b: {  	[tilespmem:s16+$0x4150] =	vst v0  }
0x2c: {  	[tilespmem:s16+$0x4160] =	vst v0;
	s16 =	sshra.s32 s17, $0x2;
	s17 =	sadd.s32 $0x200, s17  }
0x2d: {  	[tilespmem:s16+$0x4170] =	vst v0  }
0x2e: {  	[tilespmem:s16+$0x4100] =	vst v0  }
0x2f: {  	[tilespmem:s16+$0x4110] =	vst v0  }
0x30: {  	[tilespmem:s16+$0x4120] =	vst v0  }
0x31: {  	[tilespmem:s16+$0x4130] =	vst v0  }
0x32: {  	[tilespmem:s16+$0x4140] =	vst v0  }
0x33: {  	[tilespmem:s16+$0x4150] =	vst v0  }
0x34: {  	[tilespmem:s16+$0x4160] =	vst v0  }
0x35: {  	[spmem:s15] =	stream.linear.scatter [tilespmem:s6], [sflag:$0x2], $0x2000, $0x38;
	[tilespmem:$0x1A100] =	vst v63  }
0x36: {  	_ =	swait.ge [sflag:s7], $0x2000  }
0x37: {  	[sflag:s7] =	ssyncset.done $0x0  }
0x38: {  	[sflag:s7] =	ssyncadd.s32 $0xFFFFE000  }
0x39: {  	[spmem:s29] =	stream.linear.scatter [tilespmem:s6], [sflag:$0x2], $0x2000, $0x38;
	[tilespmem:$0x1A100] =	vst v63  }
0x3a: {  	_ =	swait.ge [sflag:s7], $0x2000  }
0x3b: {  	[sflag:s7] =	ssyncset.done $0x0  }
0x3c: {  	[sflag:s7] =	ssyncadd.s32 $0xFFFFE000  }
0x3d: {  	[spmem:s30] =	stream.linear.scatter [tilespmem:s6], [sflag:$0x2], $0x2000, $0x38;
	[tilespmem:$0x1A100] =	vst v63  }
0x3e: {  	_ =	swait.ge [sflag:s7], $0x2000  }
0x3f: {  	[sflag:s7] =	ssyncset.done $0x0  }
0x40: {  	[sflag:s7] =	ssyncadd.s32 $0xFFFFE000  }
0x41: {  	[spmem:s31] =	stream.linear.scatter [tilespmem:s6], [sflag:$0x2], $0x2000, $0x38;
	[tilespmem:$0x1A100] =	vst v63  }
0x42: {  	_ =	swait.ge [sflag:s7], $0x2000  }
0x43: {  	[sflag:s7] =	ssyncset.done $0x0  }
0x44: {  	[sflag:s7] =	ssyncadd.s32 $0xFFFFE000  }
0x45: {  	[spmem:s11] =	stream.linear.scatter [tilespmem:s6], [sflag:$0x2], $0x2000, $0x38;
	[tilespmem:$0x1A100] =	vst v63  }
0x46: {  	_ =	swait.ge [sflag:s7], $0x2000  }
0x47: {  	[sflag:s7] =	ssyncset.done $0x0  }
0x48: {  	[sflag:s7] =	ssyncadd.s32 $0xFFFFE000  }
0x49: {  	[spmem:s0] =	stream.linear.scatter [tilespmem:s6], [sflag:$0x2], $0x2000, $0x38;
	[tilespmem:$0x1A100] =	vst v63  }
0x4a: {  	_ =	swait.ge [sflag:s7], $0x2000  }
0x4b: {  	[sflag:s7] =	ssyncset.done $0x0  }
0x4c: {  	[sflag:s7] =	ssyncadd.s32 $0xFFFFE000  }
0x4d: {  	[spmem:s2] =	stream.linear.scatter [tilespmem:s6], [sflag:$0x2], $0x2000, $0x38;
	[tilespmem:$0x1A100] =	vst v63  }
0x4e: {  	_ =	swait.ge [sflag:s7], $0x2000  }
0x4f: {  	[sflag:s7] =	ssyncset.done $0x0  }
0x50: {  	[sflag:s7] =	ssyncadd.s32 $0xFFFFE000  }
0x51: {  	[spmem:s3] =	stream.linear.scatter [tilespmem:s6], [sflag:$0x2], $0x2000, $0x38;
	[tilespmem:$0x1A100] =	vst v63  }
0x52: {  	_ =	swait.ge [sflag:s7], $0x2000  }
0x53: {  	[sflag:s7] =	ssyncset.done $0x0  }
0x54: {  	[sflag:s7] =	ssyncadd.s32 $0xFFFFE000  }
0x55: {  	[spmem:s4] =	stream.linear.scatter [tilespmem:s6], [sflag:$0x2], $0x2000, $0x38;
	[tilespmem:$0x1A100] =	vst v63  }
0x56: {  	_ =	swait.ge [sflag:s7], $0x2000  }
0x57: {  	[sflag:s7] =	ssyncset.done $0x0  }
0x58: {  	[sflag:s7] =	ssyncadd.s32 $0xFFFFE000  }
0x59: {  	[spmem:s5] =	stream.linear.scatter [tilespmem:s6], [sflag:$0x2], $0x2000, $0x38;
	[tilespmem:$0x1A100] =	vst v63  }
0x5a: {  	_ =	swait.ge [sflag:s7], $0x2000  }
0x5b: {  	[sflag:s7] =	ssyncset.done $0x0  }
0x5c: {  	[sflag:s7] =	ssyncadd.s32 $0xFFFFE000  }
0x5d: {  	s19 =	sadd.s32 $0x0, s28;
	[bflag:$0x0] =	sbarrier.arrive $0xFFFF  }
0x5e: {  	[tilespmem:s1], [sflag:$0x2] =	stream.linear.gather [hbm4b:s19+s1], $0x80, $0x38;
	[tilespmem:$0x1A100] =	vst v63  }
0x5f: {  	_ =	swait.ge [sflag:s7], $0x80  }
0x60: {  	[sflag:s7] =	ssyncset.done $0x0  }
0x61: {  	s20 =	sadd.s32 $0x0, s26;
	[sflag:s7] =	ssyncadd.s32 $0xFFFFFF80  }
0x62: {  	[tilespmem:s8], [sflag:$0x2] =	stream.linear.gather [hbm4b:s20+s1], $0x80, $0x38;
	[tilespmem:$0x1A100] =	vst v63  }
0x63: {  	_ =	swait.ge [sflag:s7], $0x80  }
0x64: {  	[sflag:s7] =	ssyncset.done $0x0  }
0x65: {  	[sflag:s7] =	ssyncadd.s32 $0xFFFFFF80  }
0x66: {  	[tilespmem:s9], [sflag:$0x1] =	stream.indirect.gather [hbm4b:s14+s8], $0x80, s1, s8, $0xb8;
	[tilespmem:$0x1A100] =	vst v63  }
0x67: {  	_ =	swait.ge [sflag:s10], $0x4000  }
0x68: {  	[sflag:s10] =	ssyncset.done $0x0  }
0x69: {  	[sflag:s10] =	ssyncadd.s32 $0xFFFFC000  }
0x6a: {  	[spmem:s13] =	stream.indirect.scatter.add.f32 [tilespmem:s9], [sflag:$0x2], $0x80, s8, s8, $0xb8;
	[tilespmem:$0x1A100] =	vst v63  }
0x6b: {  	_ =	swait.ge [sflag:s7], $0x4000  }
0x6c: {  	s16 =	simm.s32 $0x10;
	s17 =	simm.s32 $0x20;
	[sflag:s7] =	ssyncset.done $0x0  }
.LBB2_4:
0x6d: {  	s18 =	sadd.s32 s16, s28  }
0x6e: {  	[sflag:s7] =	ssyncadd.s32 $0xFFFFC000;
	s19 =	smov.u32 s17;
	s20 =	sadd.s32 $0x10, s17  }
0x6f: {  	[tilespmem:s1], [sflag:$0x2] =	stream.linear.gather [hbm4b:s18+s1], $0x80, $0x38;
	[tilespmem:$0x1A100] =	vst v63  }
0x70: {  	p0 =	sne.s32 s17, $0x4E0;
	_ =	swait.ge [sflag:s7], $0x80  }
0x71: {  	[sflag:s7] =	ssyncset.done $0x0  }
0x72: {  	s17 =	sadd.s32 s16, s26;
	s16 =	smov.u32 s19;
	[sflag:s7] =	ssyncadd.s32 $0xFFFFFF80  }
0x73: {  	[tilespmem:s8], [sflag:$0x2] =	stream.linear.gather [hbm4b:s17+s1], $0x80, $0x38;
	[tilespmem:$0x1A100] =	vst v63  }
0x74: {  	_ =	swait.ge [sflag:s7], $0x80  }
0x75: {  	[sflag:s7] =	ssyncset.done $0x0  }
0x76: {  	[sflag:s7] =	ssyncadd.s32 $0xFFFFFF80  }
0x77: {  	[tilespmem:s9], [sflag:$0x1] =	stream.indirect.gather [hbm4b:s14+s8], $0x80, s1, s8, $0xb8;
	[tilespmem:$0x1A100] =	vst v63  }
0x78: {  	_ =	swait.ge [sflag:s10], $0x4000  }
.Ltmp1:
0x79: {  	[sflag:s10] =	ssyncset.done $0x0;
	(pc) =	sbr.rel @p0 .LBB2_4-.Ltmp1, $4  }
0x7a: {  	[sflag:s10] =	ssyncadd.s32 $0xFFFFC000  }
0x7b: {  	[spmem:s13] =	stream.indirect.scatter.add.f32 [tilespmem:s9], [sflag:$0x2], $0x80, s8, s8, $0xb8;
	[tilespmem:$0x1A100] =	vst v63  }
0x7c: {  	_ =	swait.ge [sflag:s7], $0x4000  }
0x7d: {  	s17 =	smov.u32 s20;
	[sflag:s7] =	ssyncset.done $0x0  }
0x7e: {  	s17 =	sadd.s32 s16, s28;
	[sflag:s7] =	ssyncadd.s32 $0xFFFFC000  }
0x7f: {  	[tilespmem:s1], [sflag:$0x2] =	stream.linear.gather [hbm4b:s17+s1], $0x80, $0x38;
	[tilespmem:$0x1A100] =	vst v63  }
0x80: {  	_ =	swait.ge [sflag:s7], $0x80  }
0x81: {  	[sflag:s7] =	ssyncset.done $0x0  }
0x82: {  	s17 =	sadd.s32 s16, s26;
	[sflag:s7] =	ssyncadd.s32 $0xFFFFFF80  }
0x83: {  	[tilespmem:s8], [sflag:$0x2] =	stream.linear.gather [hbm4b:s17+s1], $0x80, $0x38;
	[tilespmem:$0x1A100] =	vst v63  }
0x84: {  	_ =	swait.ge [sflag:s7], $0x80  }
0x85: {  	[sflag:s7] =	ssyncset.done $0x0  }
0x86: {  	[sflag:s7] =	ssyncadd.s32 $0xFFFFFF80  }
0x87: {  	[tilespmem:s9], [sflag:$0x1] =	stream.indirect.gather [hbm4b:s14+s8], $0x80, s1, s8, $0xb8;
	[tilespmem:$0x1A100] =	vst v63  }
0x88: {  	_ =	swait.ge [sflag:s10], $0x4000  }
0x89: {  	[sflag:s10] =	ssyncset.done $0x0  }
0x8a: {  	[sflag:s10] =	ssyncadd.s32 $0xFFFFC000  }
0x8b: {  	[spmem:s13] =	stream.indirect.scatter.add.f32 [tilespmem:s9], [sflag:$0x2], $0x80, s8, s8, $0xb8;
	[tilespmem:$0x1A100] =	vst v63  }
0x8c: {  	_ =	swait.ge [sflag:s7], $0x4000  }
0x8d: {  	[sflag:s7] =	ssyncset.done $0x0  }
0x8e: {  	[sflag:s7] =	ssyncadd.s32 $0xFFFFC000  }
0x8f: {  	[bflag:$0x0] =	sbarrier.arrive $0xFFFF  }
0x90: {  	[tilespmem:s9], [sflag:$0x2] =	stream.linear.gather [spmem:s15], $0x2000, $0x38;
	[tilespmem:$0x1A100] =	vst v63  }
0x91: {  	_ =	swait.ge [sflag:s7], $0x2000  }
0x92: {  	[sflag:s7] =	ssyncset.done $0x0  }
0x93: {  	s18 =	rddreg [dreg:$0x3];
	[sflag:s7] =	ssyncadd.s32 $0xFFFFE000  }
0x94: {  	[hbm4b:s18+s1] =	stream.linear.scatter [tilespmem:s9], [sflag:$0x2], $0x2000, $0x38;
	[tilespmem:$0x1A100] =	vst v63  }
0x95: {  	_ =	swait.ge [sflag:s7], $0x2000  }
0x96: {  	[sflag:s7] =	ssyncset.done $0x0  }
0x97: {  	s19 =	rddreg [dreg:$0xe];
	[sflag:s7] =	ssyncadd.s32 $0xFFFFE000  }
0x98: {  	[tilespmem:s9], [sflag:$0x2] =	stream.linear.gather [spmem:s19], $0x2000, $0x38;
	[tilespmem:$0x1A100] =	vst v63  }
0x99: {  	_ =	swait.ge [sflag:s7], $0x2000  }
0x9a: {  	[sflag:s7] =	ssyncset.done $0x0  }
0x9b: {  	s20 =	rddreg [dreg:$0x4];
	[sflag:s7] =	ssyncadd.s32 $0xFFFFE000  }
0x9c: {  	[hbm4b:s20+s1] =	stream.linear.scatter [tilespmem:s9], [sflag:$0x2], $0x2000, $0x38;
	[tilespmem:$0x1A100] =	vst v63  }
0x9d: {  	_ =	swait.ge [sflag:s7], $0x2000  }
0x9e: {  	[sflag:s7] =	ssyncset.done $0x0  }
0x9f: {  	s17 =	rddreg [dreg:$0xf];
	[sflag:s7] =	ssyncadd.s32 $0xFFFFE000  }
0xa0: {  	[tilespmem:s9], [sflag:$0x2] =	stream.linear.gather [spmem:s17], $0x2000, $0x38;
	[tilespmem:$0x1A100] =	vst v63  }
0xa1: {  	_ =	swait.ge [sflag:s7], $0x2000  }
0xa2: {  	[sflag:s7] =	ssyncset.done $0x0  }
0xa3: {  	s18 =	rddreg [dreg:$0x5];
	[sflag:s7] =	ssyncadd.s32 $0xFFFFE000  }
0xa4: {  	[hbm4b:s18+s1] =	stream.linear.scatter [tilespmem:s9], [sflag:$0x2], $0x2000, $0x38;
	[tilespmem:$0x1A100] =	vst v63  }
0xa5: {  	_ =	swait.ge [sflag:s7], $0x2000  }
0xa6: {  	[sflag:s7] =	ssyncset.done $0x0  }
0xa7: {  	s19 =	rddreg [dreg:$0x10];
	[sflag:s7] =	ssyncadd.s32 $0xFFFFE000  }
0xa8: {  	[tilespmem:s9], [sflag:$0x2] =	stream.linear.gather [spmem:s19], $0x2000, $0x38;
	[tilespmem:$0x1A100] =	vst v63  }
0xa9: {  	_ =	swait.ge [sflag:s7], $0x2000  }
0xaa: {  	[sflag:s7] =	ssyncset.done $0x0  }
0xab: {  	s20 =	rddreg [dreg:$0x6];
	[sflag:s7] =	ssyncadd.s32 $0xFFFFE000  }
0xac: {  	[hbm4b:s20+s1] =	stream.linear.scatter [tilespmem:s9], [sflag:$0x2], $0x2000, $0x38;
	[tilespmem:$0x1A100] =	vst v63  }
0xad: {  	_ =	swait.ge [sflag:s7], $0x2000  }
0xae: {  	[sflag:s7] =	ssyncset.done $0x0  }
0xaf: {  	s17 =	rddreg [dreg:$0x11];
	[sflag:s7] =	ssyncadd.s32 $0xFFFFE000  }
0xb0: {  	[tilespmem:s9], [sflag:$0x2] =	stream.linear.gather [spmem:s17], $0x2000, $0x38;
	[tilespmem:$0x1A100] =	vst v63  }
0xb1: {  	_ =	swait.ge [sflag:s7], $0x2000  }
0xb2: {  	[sflag:s7] =	ssyncset.done $0x0  }
0xb3: {  	s18 =	rddreg [dreg:$0x7];
	[sflag:s7] =	ssyncadd.s32 $0xFFFFE000  }
0xb4: {  	[hbm4b:s18+s1] =	stream.linear.scatter [tilespmem:s9], [sflag:$0x2], $0x2000, $0x38;
	[tilespmem:$0x1A100] =	vst v63  }
0xb5: {  	_ =	swait.ge [sflag:s7], $0x2000  }
0xb6: {  	[sflag:s7] =	ssyncset.done $0x0  }
0xb7: {  	[sflag:s7] =	ssyncadd.s32 $0xFFFFE000  }
0xb8: {  	[tilespmem:s9], [sflag:$0x2] =	stream.linear.gather [spmem:s21], $0x2000, $0x38;
	[tilespmem:$0x1A100] =	vst v63  }
0xb9: {  	_ =	swait.ge [sflag:s7], $0x2000  }
0xba: {  	[sflag:s7] =	ssyncset.done $0x0  }
0xbb: {  	s19 =	rddreg [dreg:$0x8];
	[sflag:s7] =	ssyncadd.s32 $0xFFFFE000  }
0xbc: {  	[hbm4b:s19+s1] =	stream.linear.scatter [tilespmem:s9], [sflag:$0x2], $0x2000, $0x38;
	[tilespmem:$0x1A100] =	vst v63  }
0xbd: {  	_ =	swait.ge [sflag:s7], $0x2000  }
0xbe: {  	[sflag:s7] =	ssyncset.done $0x0  }
0xbf: {  	[sflag:s7] =	ssyncadd.s32 $0xFFFFE000  }
0xc0: {  	[tilespmem:s9], [sflag:$0x2] =	stream.linear.gather [spmem:s22], $0x2000, $0x38;
	[tilespmem:$0x1A100] =	vst v63  }
0xc1: {  	_ =	swait.ge [sflag:s7], $0x2000  }
0xc2: {  	[sflag:s7] =	ssyncset.done $0x0  }
0xc3: {  	s20 =	rddreg [dreg:$0x9];
	[sflag:s7] =	ssyncadd.s32 $0xFFFFE000  }
0xc4: {  	[hbm4b:s20+s1] =	stream.linear.scatter [tilespmem:s9], [sflag:$0x2], $0x2000, $0x38;
	[tilespmem:$0x1A100] =	vst v63  }
0xc5: {  	_ =	swait.ge [sflag:s7], $0x2000  }
0xc6: {  	[sflag:s7] =	ssyncset.done $0x0  }
0xc7: {  	[sflag:s7] =	ssyncadd.s32 $0xFFFFE000  }
0xc8: {  	[tilespmem:s9], [sflag:$0x2] =	stream.linear.gather [spmem:s23], $0x2000, $0x38;
	[tilespmem:$0x1A100] =	vst v63  }
0xc9: {  	_ =	swait.ge [sflag:s7], $0x2000  }
0xca: {  	[sflag:s7] =	ssyncset.done $0x0  }
0xcb: {  	s17 =	rddreg [dreg:$0xa];
	[sflag:s7] =	ssyncadd.s32 $0xFFFFE000  }
0xcc: {  	[hbm4b:s17+s1] =	stream.linear.scatter [tilespmem:s9], [sflag:$0x2], $0x2000, $0x38;
	[tilespmem:$0x1A100] =	vst v63  }
0xcd: {  	_ =	swait.ge [sflag:s7], $0x2000  }
0xce: {  	[sflag:s7] =	ssyncset.done $0x0  }
0xcf: {  	[sflag:s7] =	ssyncadd.s32 $0xFFFFE000  }
0xd0: {  	[tilespmem:s9], [sflag:$0x2] =	stream.linear.gather [spmem:s24], $0x2000, $0x38;
	[tilespmem:$0x1A100] =	vst v63  }
0xd1: {  	_ =	swait.ge [sflag:s7], $0x2000  }
0xd2: {  	[sflag:s7] =	ssyncset.done $0x0  }
0xd3: {  	s18 =	rddreg [dreg:$0xb];
	[sflag:s7] =	ssyncadd.s32 $0xFFFFE000  }
0xd4: {  	[hbm4b:s18+s1] =	stream.linear.scatter [tilespmem:s9], [sflag:$0x2], $0x2000, $0x38;
	[tilespmem:$0x1A100] =	vst v63  }
0xd5: {  	_ =	swait.ge [sflag:s7], $0x2000  }
0xd6: {  	[sflag:s7] =	ssyncset.done $0x0  }
0xd7: {  	[sflag:s7] =	ssyncadd.s32 $0xFFFFE000  }
0xd8: {  	[tilespmem:s9], [sflag:$0x2] =	stream.linear.gather [spmem:s25], $0x2000, $0x38;
	[tilespmem:$0x1A100] =	vst v63  }
0xd9: {  	_ =	swait.ge [sflag:s7], $0x2000  }
0xda: {  	[sflag:s7] =	ssyncset.done $0x0  }
0xdb: {  	s19 =	rddreg [dreg:$0xc];
	[sflag:s7] =	ssyncadd.s32 $0xFFFFE000  }
0xdc: {  	[hbm4b:s19+s1] =	stream.linear.scatter [tilespmem:s9], [sflag:$0x2], $0x2000, $0x38;
	[tilespmem:$0x1A100] =	vst v63  }
0xdd: {  	_ =	swait.ge [sflag:s7], $0x2000  }
0xde: {  	s12 =	sadd.s32 $0x1, s12;
	s20 =	rddreg [dreg:$0xd]  }
0xdf: {  	p0 =	sne.s32 s12, s20  }
.Ltmp2:
0xe0: {  	_ = 	snop;
	(pc) =	sbr.rel @p0 .LBB2_1-.Ltmp2, $3  }
0xe1: {  	_ =	sdelay $0x1  }
0xe2: {  	[sflag:s7] =	ssyncset.done $0x0  }
0xe3: {  	[sflag:s7] =	ssyncadd.s32 $0xFFFFE000  }
0xe4: {  	_ =	sfence.sel $0x180000  }
0xe5: {  	[bflag:$0x0] =	sbarrier.arrive $0xFFFF  }
0xe6: {  	_ =	strace $0x9000004D  }
0xe7: {  	s0 =	stileid.u32;
	[bflag:$0x2] =	sbarrier.arrive $0xFFFF  }
0xe8: {  	p0 =	sne.s32 s0, $0x0;
	s0 =	rddreg [dreg:$0x2]  }
0xe9: {  	s0 =	sadd.s32 @!p0 $0x100000, s0  }
0xea: {  	[sflag:s0] =	ssyncadd.tile.s32 @!p0 $0x1;
	_ =	shalt  }
.Lfunc_end2:
_tile_overlayer_lowered:
.L_overlay_start_2:
0xeb: {  	(tag) =	ssettag $0x2  }
0xec: {  	s0 =	rddreg [dreg:$0x0];
	s2 =	stileid.u32  }
0xed: {  	s1 =	rddreg [dreg:$0x1];
	p0 =	sne.s32 s2, $0x0  }
0xee: {  	s3 =	rddreg [dreg:$0x2];
	[bflag:$0x3] =	sbarrier.arrive $0xFFFF;
	s2 =	simm.s32 @!p0 $0x1C02  }
0xef: {  	[timem:s3], [sflag:s2] =	dma.local @!p0 [hbm:s0], s1  }
0xf0: {  	s0 =	simm.s32 @!p0 $0x2  }
0xf1: {  	_ =	swait.ge @!p0 [sflag:s0], s1  }
0xf2: {  	s1 =	ssub.s32 @!p0 $0x0, s1;
	[sflag:s0] =	ssyncset.done @!p0 $0x0  }
0xf3: {  	[sflag:s0] =	ssyncadd.s32 @!p0 s1  }
0xf4: {  	[bflag:$0x3] =	sbarrier.arrive $0xFFFF  }
0xf5: {  	_ =	shalt  }

</sc_bundles>
